<compile_context>
chip_gen: v7x
topology: tpu7x:2x2x1
jax: 0.10.2.dev20260603
libtpu: 0.0.44.dev20260713+nightly
codegen_flags: <defaults>
</compile_context>

<pallas_src>
import functools

import jax
import jax.numpy as jnp
from jax import lax
from jax.experimental import pallas as pl
from jax.experimental.pallas import tpu as pltpu
from jax.experimental.pallas import tpu_sc as plsc

N = 10000
D = 128
DEG = 32
UNUM = 5000
INUM = 3000
UN6 = 6000
ALPHA = 0.2
UN = (5500, 5000)
BR = 1000

NC = 2
NS = 16
NW = NC * NS
DP = 318
CS = 2
CH = DP // CS
NPAD = NW * DP
NBUF = 3


def _l2norm_rows(z):
    nrm = jnp.sqrt(jnp.sum(z * z, axis=1, keepdims=True))
    return z / jnp.maximum(nrm, 1e-12)


def _timeagg(x, h0, h1, whis_ref, wt_ref):
    tf = jnp.dot((h0 + h1) * 0.5, whis_ref[...],
                 preferred_element_type=jnp.float32)
    z = (jnp.dot(x, wt_ref[0:D, :], preferred_element_type=jnp.float32)
         + jnp.dot(tf, wt_ref[D:, :], preferred_element_type=jnp.float32))
    z = jnp.where(z >= 0, z, z * ALPHA)
    return _l2norm_rows(z)



def _tca_body(w1s_ref, w1n_ref, whis_ref, wt_ref, h0f_ref, h0i_ref, h1f_ref,
              h1_ref, h1c_ref):
    b = pl.program_id(0)
    s = jnp.sum(w1s_ref[...], axis=0, keepdims=True) + jnp.sum(
        w1n_ref[...], axis=0, keepdims=True)
    s = jnp.maximum(s, 0.0)
    v1 = s / jnp.maximum(jnp.sqrt(jnp.sum(s * s)), 1e-12)
    bc = jnp.broadcast_to(v1, (BR, D))
    h1_ref[...] = bc

    @pl.when((b == 5) | (b == 9))
    def _():
        h1c_ref[...] = bc

    @pl.when(b <= 4)
    def _():
        h1c_ref[...] = _timeagg(bc, h0f_ref[...], h1f_ref[...],
                                whis_ref, wt_ref)

    @pl.when((b >= 6) & (b <= 8))
    def _():
        h1c_ref[...] = _timeagg(bc, h0i_ref[...], h1f_ref[...],
                                whis_ref, wt_ref)


def _tc_a(w1s, w1n, whis, wt, h10, h10_item, h11):
    full = pl.BlockSpec((D, D), lambda b: (0, 0))
    return pl.pallas_call(
        _tca_body,
        grid=(N // BR,),
        in_specs=[
            full, full, full,
            pl.BlockSpec((2 * D, D), lambda b: (0, 0)),
            pl.BlockSpec((BR, D), lambda b: (jnp.minimum(b, 4), 0)),
            pl.BlockSpec((BR, D), lambda b: (jnp.clip(b - 6, 0, 2), 0)),
            pl.BlockSpec((BR, D),
                         lambda b: (jnp.where(b <= 4, b,
                                              jnp.clip(b - 1, 0, 9)), 0)),
        ],
        out_specs=[
            pl.BlockSpec((BR, D), lambda b: (b, 0)),
            pl.BlockSpec((BR, D), lambda b: (b, 0)),
        ],
        out_shape=[
            jax.ShapeDtypeStruct((N, D), jnp.float32),
            jax.ShapeDtypeStruct((N, D), jnp.float32),
        ],
    )(w1s, w1n, whis, wt, h10, h10_item, h11)



def _tcb_body(w2s_ref, w2n_ref, whis_ref, wt_ref, h1c_ref, ns_ref,
              h0f_ref, h0i_ref, h1f_ref, h2_ref, feat_ref):
    b = pl.program_id(0)
    z = (jnp.dot(h1c_ref[...], w2s_ref[...],
                 preferred_element_type=jnp.float32)
         + jnp.dot(ns_ref[...] * (1.0 / DEG), w2n_ref[...],
                   preferred_element_type=jnp.float32))
    h2 = _l2norm_rows(jnp.maximum(z, 0.0))
    h2_ref[...] = h2

    @pl.when((b == 5) | (b == 9))
    def _():
        feat_ref[...] = h2

    @pl.when(b <= 4)
    def _():
        feat_ref[...] = _timeagg(h2, h0f_ref[...], h1f_ref[...],
                                 whis_ref, wt_ref)

    @pl.when((b >= 6) & (b <= 8))
    def _():
        feat_ref[...] = _timeagg(h2, h0i_ref[...], h1f_ref[...],
                                 whis_ref, wt_ref)


def _tc_b(w2s, w2n, whis, wt, h1c, nsum, h20, h20_item, h21):
    full = pl.BlockSpec((D, D), lambda b: (0, 0))
    blk = pl.BlockSpec((BR, D), lambda b: (b, 0))
    return pl.pallas_call(
        _tcb_body,
        grid=(N // BR,),
        in_specs=[
            full, full, full,
            pl.BlockSpec((2 * D, D), lambda b: (0, 0)),
            blk, blk,
            pl.BlockSpec((BR, D), lambda b: (jnp.minimum(b, 4), 0)),
            pl.BlockSpec((BR, D), lambda b: (jnp.clip(b - 6, 0, 2), 0)),
            pl.BlockSpec((BR, D),
                         lambda b: (jnp.where(b <= 4, b,
                                              jnp.clip(b - 1, 0, 9)), 0)),
        ],
        out_specs=[blk, blk],
        out_shape=[
            jax.ShapeDtypeStruct((N, D), jnp.float32),
            jax.ShapeDtypeStruct((N, D), jnp.float32),
        ],
    )(w2s, w2n, whis, wt, h1c, nsum, h20, h20_item, h21)



def _sc_gather_body(table_hbm, idx_hbm, out_hbm, table_s, idx_v,
                    gb0, gb1, gb2, rb0, rb1, rb2,
                    s0, s1, s2, o0, o1, o2):
    c = lax.axis_index("c")
    s = lax.axis_index("s")
    wid = s * NC + c
    gbufs = (gb0, gb1, gb2)
    rbufs = (rb0, rb1, rb2)
    sems = (s0, s1, s2)
    osems = (o0, o1, o2)

    @pl.when(s < 15)
    def _():
        pltpu.sync_copy(table_hbm.at[pl.ds(s * 632, 632)],
                        table_s.at[pl.ds(s * 632, 632)])

    @pl.when(s == 15)
    def _():
        pltpu.sync_copy(table_hbm.at[pl.ds(15 * 632, 520)],
                        table_s.at[pl.ds(15 * 632, 520)])

    pltpu.sync_copy(idx_hbm.at[wid], idx_v)
    plsc.subcore_barrier()

    def live(g):
        return wid * DP + CS * g + CS <= N

    for b in range(NBUF):
        pltpu.make_async_copy(table_s.at[idx_v.at[b]], gbufs[b],
                              sems[b]).start()

    def reduce_chunk(gb, rb):
        for j in range(CS):
            def row_step(r, accs):
                return tuple(accs[d] + gb[DEG * j + r, pl.ds(16 * d, 16)]
                             for d in range(8))

            init = tuple(gb[DEG * j, pl.ds(16 * d, 16)] for d in range(8))
            accs = lax.fori_loop(1, DEG, row_step, init)
            for d in range(8):
                rb[pl.ds(j * D + 16 * d, 16)] = accs[d]

    def out_copy(g, b):
        return pltpu.make_async_copy(
            rbufs[b], out_hbm.at[pl.ds((wid * DP + CS * g) * D, CS * D)],
            osems[b])

    def outer(t, carry):
        for b in range(NBUF):
            g = t * NBUF + b
            pltpu.make_async_copy(table_s.at[idx_v.at[g]], gbufs[b],
                                  sems[b]).wait()

            @pl.when((t > 0) & live(g - NBUF))
            def _():
                out_copy(g, b).wait()

            reduce_chunk(gbufs[b], rbufs[b])

            @pl.when(live(g))
            def _():
                out_copy(g, b).start()

            @pl.when(t < CH // NBUF - 1)
            def _():
                pltpu.make_async_copy(table_s.at[idx_v.at[g + NBUF]],
                                      gbufs[b], sems[b]).start()
        return carry

    lax.fori_loop(0, CH // NBUF, outer, 0)
    for b in range(NBUF):
        g = CH - NBUF + b

        @pl.when(live(g))
        def _():
            out_copy(g, b).wait()


def _neighbor_sum(table, idx_chunks):
    mesh = plsc.VectorSubcoreMesh(core_axis_name="c", subcore_axis_name="s")
    k = functools.partial(
        pl.kernel,
        mesh=mesh,
        out_type=jax.ShapeDtypeStruct((N * D,), jnp.float32),
        scratch_types=[
            pltpu.VMEM_SHARED((N, D), jnp.float32),
            pltpu.VMEM((CH, CS * DEG), jnp.int32),
            pltpu.VMEM((CS * DEG, D), jnp.float32),
            pltpu.VMEM((CS * DEG, D), jnp.float32),
            pltpu.VMEM((CS * DEG, D), jnp.float32),
            pltpu.VMEM((CS * D,), jnp.float32),
            pltpu.VMEM((CS * D,), jnp.float32),
            pltpu.VMEM((CS * D,), jnp.float32),
            pltpu.SemaphoreType.DMA,
            pltpu.SemaphoreType.DMA,
            pltpu.SemaphoreType.DMA,
            pltpu.SemaphoreType.DMA,
            pltpu.SemaphoreType.DMA,
            pltpu.SemaphoreType.DMA,
        ],
    )(_sc_gather_body)
    return k(table, idx_chunks).reshape(N, D)



def kernel(feats, agg_neigh_list1, agg_neigh_list2, hist_h1_0, hist_h1_1,
           hist_h2_0, hist_h2_1, W1_self, W1_neigh, W2_self, W2_neigh,
           W_his, W_T):
    del feats, agg_neigh_list1

    h10_item = hist_h1_0[UN[0]:UN[0] + INUM]
    h20_item = hist_h2_0[UN[0]:UN[0] + INUM]

    h1, h1c = _tc_a(W1_self, W1_neigh, W_his, W_T,
                    hist_h1_0, h10_item, hist_h1_1)

    idx = agg_neigh_list2.astype(jnp.int32)
    idx = jnp.pad(idx, ((0, NPAD - N), (0, 0)))
    idx_chunks = idx.reshape(NW, CH, CS * DEG)
    nsum = _neighbor_sum(h1c, idx_chunks)

    h2, feat = _tc_b(W2_self, W2_neigh, W_his, W_T, h1c, nsum,
                     hist_h2_0, h20_item, hist_h2_1)
    return (h1, h2, feat)

# --- scband reference (transcript-rebuilt; emitter-appended) ---
"""Pipeline reference for scband-dyn-graph-sage-51565377356362 (READ-ONLY COPY).

The authoritative reference and input builder live on the scoring server;
editing this copy changes nothing except your own understanding.
"""

import jax, jax.numpy as jnp
import numpy as np

N = 10000
DEG = 32
D = 128
USER_NUM = 5000
ITEM_NUM = 3000
USER_N = 6000
PAST = 2
ALPHA = 0.2
UN = [5500, 5000]  # args.user_number[now-1-j] for j = 0, 1


def _l2norm(x):
    return x / jnp.maximum(jnp.linalg.norm(x, axis=1, keepdims=True), 1e-12)


def _sage(x, idx, Ws, Wn):
    # mean-aggregator GraphSAGE layer: gather sampled neighbors, mean, combine with self
    neigh = jnp.mean(jnp.take(x, idx, axis=0), axis=1)
    return jax.nn.relu(x @ Ws + neigh @ Wn)


def _time_agg(feat, hists, W_his, W_T):
    # aggregate_neighbors_time_feats_func_mean (eval mode: dropout = identity)
    tf = jnp.zeros((USER_NUM + ITEM_NUM, W_his.shape[1]), dtype=feat.dtype)
    for j in range(PAST):
        h = hists[j]
        tf = tf + jnp.concatenate([h[:USER_NUM] @ W_his, h[UN[j]:UN[j] + ITEM_NUM] @ W_his], axis=0)
    tf = tf / float(PAST)
    uf = jnp.concatenate([feat[:USER_NUM], tf[:USER_NUM]], axis=1) @ W_T
    itf = jnp.concatenate([feat[USER_N:USER_N + ITEM_NUM], tf[USER_NUM:]], axis=1) @ W_T
    uf = _l2norm(jax.nn.leaky_relu(uf, ALPHA))
    itf = _l2norm(jax.nn.leaky_relu(itf, ALPHA))
    return uf, itf


def setup_inputs(seed: int = 0):
    key = jax.random.key(seed)
    ks = jax.random.split(key, 12)

    def xavier(k, shape):
        lim = float(np.sqrt(6.0 / (shape[0] + shape[1])))
        return jax.random.uniform(k, shape, jnp.float32, -lim, lim)

    return {
        'feats': jnp.ones((N, D), jnp.float32),  # nn.Parameter(torch.ones(N, first_dim))
        'agg_neigh_list1': jax.random.randint(ks[0], (N, DEG), 0, N),
        'agg_neigh_list2': jax.random.randint(ks[1], (N, DEG), 0, N),
        'hist_h1_0': jax.random.normal(ks[2], (N, D), jnp.float32) * 0.1,
        'hist_h1_1': jax.random.normal(ks[3], (N, D), jnp.float32) * 0.1,
        'hist_h2_0': jax.random.normal(ks[4], (N, D), jnp.float32) * 0.1,
        'hist_h2_1': jax.random.normal(ks[5], (N, D), jnp.float32) * 0.1,
        'W1_self': xavier(ks[6], (D, D)),
        'W1_neigh': xavier(ks[7], (D, D)),
        'W2_self': xavier(ks[8], (D, D)),
        'W2_neigh': xavier(ks[9], (D, D)),
        'W_his': xavier(ks[10], (D, D)),
        'W_T': xavier(ks[11], (2 * D, D)),
    }


def reference(feats, agg_neigh_list1, agg_neigh_list2, hist_h1_0, hist_h1_1,
              hist_h2_0, hist_h2_1, W1_self, W1_neigh, W2_self, W2_neigh, W_his, W_T):
    # sage_1_order + dropout(identity, eval) + L2 normalize
    h1 = _l2norm(_sage(feats, agg_neigh_list1, W1_self, W1_neigh))
    # hidden_info branch (now >= past, time_aggregate_type == 'mean')
    uf1, if1 = _time_agg(h1, [hist_h1_0, hist_h1_1], W_his, W_T)
    h1c = jnp.concatenate([uf1, h1[USER_NUM:USER_N], if1, h1[USER_N + ITEM_NUM:]], axis=0)
    # sage_2_order + normalize
    h2 = _l2norm(_sage(h1c, agg_neigh_list2, W2_self, W2_neigh))
    uf2, if2 = _time_agg(h2, [hist_h2_0, hist_h2_1], W_his, W_T)
    feat = jnp.concatenate([uf2, h2[USER_NUM:USER_N], if2, h2[USER_N + ITEM_NUM:]], axis=0)
    return (h1, h2, feat)

if __name__ == "__main__":
    import jax
    _d = setup_inputs()
    print(jax.jit(kernel)(*tuple(_d.values())))

</pallas_src>

<mosaic_0001>
#map = affine_map<(d0, d1) -> (0, 0)>
#map1 = affine_map<(d0, d1) -> (0, 0, 0)>
#map2 = affine_map<(d0, d1) -> (0)>
module attributes {stable_mosaic.version = 14 : i64} {
  func.func @_sc_gather_body(%arg0: i32, %arg1: i32, %arg2: memref<10000x128xf32, #tpu.memory_space<hbm>>, %arg3: memref<32x159x64xi32, #tpu.memory_space<hbm>>, %arg4: memref<1280000xf32, #tpu.memory_space<hbm>>, %arg5: memref<10000x128xf32, #tpu.memory_space<vmem_shared>>, %arg6: memref<159x64xi32, #tpu.memory_space<vmem>>, %arg7: memref<64x128xf32, #tpu.memory_space<vmem>>, %arg8: memref<64x128xf32, #tpu.memory_space<vmem>>, %arg9: memref<64x128xf32, #tpu.memory_space<vmem>>, %arg10: memref<256xf32, #tpu.memory_space<vmem>>, %arg11: memref<256xf32, #tpu.memory_space<vmem>>, %arg12: memref<256xf32, #tpu.memory_space<vmem>>, %arg13: memref<!tpu.dma_semaphore, #tpu.memory_space<semaphore_mem>>, %arg14: memref<!tpu.dma_semaphore, #tpu.memory_space<semaphore_mem>>, %arg15: memref<!tpu.dma_semaphore, #tpu.memory_space<semaphore_mem>>, %arg16: memref<!tpu.dma_semaphore, #tpu.memory_space<semaphore_mem>>, %arg17: memref<!tpu.dma_semaphore, #tpu.memory_space<semaphore_mem>>, %arg18: memref<!tpu.dma_semaphore, #tpu.memory_space<semaphore_mem>>) attributes {dimension_semantics = [#tpu.dimension_semantics<core_parallel>, #tpu.dimension_semantics<subcore_parallel>], iteration_bounds = array<i64: 2, 16>, scalar_prefetch = 0 : i64, scratch_operands = 14 : i64, tpu.core_type = #tpu.core_type<sc_vector_subcore>, window_params = [{transform_indices = #map}, {transform_indices = #map1}, {transform_indices = #map2}]} {
    %mul3A = arith.constant 2 : i32
    %mul3A_0 = arith.muli %arg1, %mul3A : i32
    %add3A = arith.addi %mul3A_0, %arg0 : i32
    %lt3A = arith.constant 15 : i32
    %lt3A_1 = arith.cmpi slt, %arg1, %lt3A : i32
    %convert_element_type3A = arith.extui %lt3A_1 : i1 to i32
    %cond3A = arith.constant 0 : i32
    %cond3A_2 = arith.cmpi ne, %convert_element_type3A, %cond3A : i32
    scf.if %cond3A_2 {
      %mul3A_64 = arith.constant 632 : i32
      %mul3A_65 = arith.muli %arg1, %mul3A_64 : i32
      %mul3A_66 = arith.constant 632 : i32
      %mul3A_67 = arith.muli %arg1, %mul3A_66 : i32
      "tpu.region"() ({
        %run_scoped3A = tpu.sem_alloc : memref<!tpu.dma_semaphore, #tpu.memory_space<semaphore_mem>>
        %dma_start3A_68 = arith.constant 0 : i32
        %dma_start3A_69 = tpu.memref_slice %arg5[%mul3A_67, %dma_start3A_68] : memref<10000x128xf32, #tpu.memory_space<vmem_shared>> -> memref<632x128xf32, #tpu.memory_space<vmem_shared>>
        %dma_start3A_70 = arith.constant 0 : i32
        %dma_start3A_71 = tpu.memref_slice %arg2[%mul3A_65, %dma_start3A_70] : memref<10000x128xf32, #tpu.memory_space<hbm>> -> memref<632x128xf32, #tpu.memory_space<hbm>>
        tpu.enqueue_dma source(%dma_start3A_71 : memref<632x128xf32, #tpu.memory_space<hbm>>) target(%dma_start3A_69 : memref<632x128xf32, #tpu.memory_space<vmem_shared>>) target_semaphore(%run_scoped3A : memref<!tpu.dma_semaphore, #tpu.memory_space<semaphore_mem>>)
        %dma_wait3A = arith.constant 0 : i32
        %dma_wait3A_72 = tpu.memref_slice %arg5[%mul3A_67, %dma_wait3A] : memref<10000x128xf32, #tpu.memory_space<vmem_shared>> -> memref<632x128xf32, #tpu.memory_space<vmem_shared>>
        %dma_wait3A_73 = arith.constant 0 : i32
        %dma_wait3A_74 = tpu.memref_slice %arg2[%mul3A_65, %dma_wait3A_73] : memref<10000x128xf32, #tpu.memory_space<hbm>> -> memref<632x128xf32, #tpu.memory_space<hbm>>
        tpu.wait_dma2 semaphore(%run_scoped3A : memref<!tpu.dma_semaphore, #tpu.memory_space<semaphore_mem>>) src(%dma_wait3A_74 : memref<632x128xf32, #tpu.memory_space<hbm>>) dst(%dma_wait3A_72 : memref<632x128xf32, #tpu.memory_space<vmem_shared>>)
        tpu.yield
      }) : () -> ()
    } else {
    }
    %eq3A = arith.constant 15 : i32
    %eq3A_3 = arith.cmpi eq, %arg1, %eq3A : i32
    %convert_element_type3A_4 = arith.extui %eq3A_3 : i1 to i32
    %cond3A_5 = arith.constant 0 : i32
    %cond3A_6 = arith.cmpi ne, %convert_element_type3A_4, %cond3A_5 : i32
    scf.if %cond3A_6 {
      "tpu.region"() ({
        %run_scoped3A = tpu.sem_alloc : memref<!tpu.dma_semaphore, #tpu.memory_space<semaphore_mem>>
        %dma_start3A_64 = arith.constant 9480 : i32
        %dma_start3A_65 = arith.constant 0 : i32
        %dma_start3A_66 = tpu.memref_slice %arg5[%dma_start3A_64, %dma_start3A_65] : memref<10000x128xf32, #tpu.memory_space<vmem_shared>> -> memref<520x128xf32, #tpu.memory_space<vmem_shared>>
        %dma_start3A_67 = arith.constant 9480 : i32
        %dma_start3A_68 = arith.constant 0 : i32
        %dma_start3A_69 = tpu.memref_slice %arg2[%dma_start3A_67, %dma_start3A_68] : memref<10000x128xf32, #tpu.memory_space<hbm>> -> memref<520x128xf32, #tpu.memory_space<hbm>>
        tpu.enqueue_dma source(%dma_start3A_69 : memref<520x128xf32, #tpu.memory_space<hbm>>) target(%dma_start3A_66 : memref<520x128xf32, #tpu.memory_space<vmem_shared>>) target_semaphore(%run_scoped3A : memref<!tpu.dma_semaphore, #tpu.memory_space<semaphore_mem>>)
        %dma_wait3A = arith.constant 9480 : i32
        %dma_wait3A_70 = arith.constant 0 : i32
        %dma_wait3A_71 = tpu.memref_slice %arg5[%dma_wait3A, %dma_wait3A_70] : memref<10000x128xf32, #tpu.memory_space<vmem_shared>> -> memref<520x128xf32, #tpu.memory_space<vmem_shared>>
        %dma_wait3A_72 = arith.constant 9480 : i32
        %dma_wait3A_73 = arith.constant 0 : i32
        %dma_wait3A_74 = tpu.memref_slice %arg2[%dma_wait3A_72, %dma_wait3A_73] : memref<10000x128xf32, #tpu.memory_space<hbm>> -> memref<520x128xf32, #tpu.memory_space<hbm>>
        tpu.wait_dma2 semaphore(%run_scoped3A : memref<!tpu.dma_semaphore, #tpu.memory_space<semaphore_mem>>) src(%dma_wait3A_74 : memref<520x128xf32, #tpu.memory_space<hbm>>) dst(%dma_wait3A_71 : memref<520x128xf32, #tpu.memory_space<vmem_shared>>)
        tpu.yield
      }) : () -> ()
    } else {
    }
    "tpu.region"() ({
      %run_scoped3A = tpu.sem_alloc : memref<!tpu.dma_semaphore, #tpu.memory_space<semaphore_mem>>
      %dma_start3A_64 = arith.constant 0 : i32
      %dma_start3A_65 = arith.constant 0 : i32
      %dma_start3A_66 = tpu.memref_slice %arg3[%add3A, %dma_start3A_64, %dma_start3A_65] : memref<32x159x64xi32, #tpu.memory_space<hbm>> -> memref<1x159x64xi32, #tpu.memory_space<hbm>>
      %dma_start3A_67 = tpu.memref_squeeze %dma_start3A_66 : memref<1x159x64xi32, #tpu.memory_space<hbm>> -> memref<159x64xi32, #tpu.memory_space<hbm>>
      %dma_start3A_68 = arith.constant 0 : i32
      %dma_start3A_69 = arith.constant 0 : i32
      %dma_start3A_70 = tpu.memref_slice %arg3[%add3A, %dma_start3A_68, %dma_start3A_69] : memref<32x159x64xi32, #tpu.memory_space<hbm>> -> memref<1x159x64xi32, #tpu.memory_space<hbm>>
      %dma_start3A_71 = tpu.memref_squeeze %dma_start3A_70 : memref<1x159x64xi32, #tpu.memory_space<hbm>> -> memref<159x64xi32, #tpu.memory_space<hbm>>
      tpu.enqueue_dma source(%dma_start3A_71 : memref<159x64xi32, #tpu.memory_space<hbm>>) target(%arg6 : memref<159x64xi32, #tpu.memory_space<vmem>>) target_semaphore(%run_scoped3A : memref<!tpu.dma_semaphore, #tpu.memory_space<semaphore_mem>>)
      %dma_wait3A = arith.constant 0 : i32
      %dma_wait3A_72 = arith.constant 0 : i32
      %dma_wait3A_73 = tpu.memref_slice %arg3[%add3A, %dma_wait3A, %dma_wait3A_72] : memref<32x159x64xi32, #tpu.memory_space<hbm>> -> memref<1x159x64xi32, #tpu.memory_space<hbm>>
      %dma_wait3A_74 = tpu.memref_squeeze %dma_wait3A_73 : memref<1x159x64xi32, #tpu.memory_space<hbm>> -> memref<159x64xi32, #tpu.memory_space<hbm>>
      %dma_wait3A_75 = arith.constant 0 : i32
      %dma_wait3A_76 = arith.constant 0 : i32
      %dma_wait3A_77 = tpu.memref_slice %arg3[%add3A, %dma_wait3A_75, %dma_wait3A_76] : memref<32x159x64xi32, #tpu.memory_space<hbm>> -> memref<1x159x64xi32, #tpu.memory_space<hbm>>
      %dma_wait3A_78 = tpu.memref_squeeze %dma_wait3A_77 : memref<1x159x64xi32, #tpu.memory_space<hbm>> -> memref<159x64xi32, #tpu.memory_space<hbm>>
      tpu.wait_dma2 semaphore(%run_scoped3A : memref<!tpu.dma_semaphore, #tpu.memory_space<semaphore_mem>>) src(%dma_wait3A_78 : memref<159x64xi32, #tpu.memory_space<hbm>>) dst(%arg6 : memref<159x64xi32, #tpu.memory_space<vmem>>)
      tpu.yield
    }) : () -> ()
    %barrier3A = arith.constant 0 : index
    tpu.barrier barrier_id(%barrier3A)
    %dma_start3A = arith.constant 0 : i32
    %dma_start3A_7 = arith.constant 0 : i32
    %dma_start3A_8 = tpu.memref_slice %arg6[%dma_start3A, %dma_start3A_7] : memref<159x64xi32, #tpu.memory_space<vmem>> -> memref<1x64xi32, #tpu.memory_space<vmem>>
    %dma_start3A_9 = tpu.memref_squeeze %dma_start3A_8 : memref<1x64xi32, #tpu.memory_space<vmem>> -> memref<64xi32, #tpu.memory_space<vmem>>
    %dma_start3A_10 = arith.constant 0 : i32
    %dma_start3A_11 = arith.constant 0 : i32
    %dma_start3A_12 = tpu.memref_slice %arg5[%dma_start3A_10, %dma_start3A_11] : memref<10000x128xf32, #tpu.memory_space<vmem_shared>> -> memref<10000x128xf32, #tpu.memory_space<vmem_shared>>
    tpu.enqueue_indirect_dma source(%dma_start3A_12 : memref<10000x128xf32, #tpu.memory_space<vmem_shared>>) target(%arg7 : memref<64x128xf32, #tpu.memory_space<vmem>>) offsets(%dma_start3A_9 : memref<64xi32, #tpu.memory_space<vmem>>) semaphore(%arg13 : memref<!tpu.dma_semaphore, #tpu.memory_space<semaphore_mem>>)
    %dma_start3A_13 = arith.constant 1 : i32
    %dma_start3A_14 = arith.constant 0 : i32
    %dma_start3A_15 = tpu.memref_slice %arg6[%dma_start3A_13, %dma_start3A_14] : memref<159x64xi32, #tpu.memory_space<vmem>> -> memref<1x64xi32, #tpu.memory_space<vmem>>
    %dma_start3A_16 = tpu.memref_squeeze %dma_start3A_15 : memref<1x64xi32, #tpu.memory_space<vmem>> -> memref<64xi32, #tpu.memory_space<vmem>>
    %dma_start3A_17 = arith.constant 0 : i32
    %dma_start3A_18 = arith.constant 0 : i32
    %dma_start3A_19 = tpu.memref_slice %arg5[%dma_start3A_17, %dma_start3A_18] : memref<10000x128xf32, #tpu.memory_space<vmem_shared>> -> memref<10000x128xf32, #tpu.memory_space<vmem_shared>>
    tpu.enqueue_indirect_dma source(%dma_start3A_19 : memref<10000x128xf32, #tpu.memory_space<vmem_shared>>) target(%arg8 : memref<64x128xf32, #tpu.memory_space<vmem>>) offsets(%dma_start3A_16 : memref<64xi32, #tpu.memory_space<vmem>>) semaphore(%arg14 : memref<!tpu.dma_semaphore, #tpu.memory_space<semaphore_mem>>)
    %dma_start3A_20 = arith.constant 2 : i32
    %dma_start3A_21 = arith.constant 0 : i32
    %dma_start3A_22 = tpu.memref_slice %arg6[%dma_start3A_20, %dma_start3A_21] : memref<159x64xi32, #tpu.memory_space<vmem>> -> memref<1x64xi32, #tpu.memory_space<vmem>>
    %dma_start3A_23 = tpu.memref_squeeze %dma_start3A_22 : memref<1x64xi32, #tpu.memory_space<vmem>> -> memref<64xi32, #tpu.memory_space<vmem>>
    %dma_start3A_24 = arith.constant 0 : i32
    %dma_start3A_25 = arith.constant 0 : i32
    %dma_start3A_26 = tpu.memref_slice %arg5[%dma_start3A_24, %dma_start3A_25] : memref<10000x128xf32, #tpu.memory_space<vmem_shared>> -> memref<10000x128xf32, #tpu.memory_space<vmem_shared>>
    tpu.enqueue_indirect_dma source(%dma_start3A_26 : memref<10000x128xf32, #tpu.memory_space<vmem_shared>>) target(%arg9 : memref<64x128xf32, #tpu.memory_space<vmem>>) offsets(%dma_start3A_23 : memref<64xi32, #tpu.memory_space<vmem>>) semaphore(%arg15 : memref<!tpu.dma_semaphore, #tpu.memory_space<semaphore_mem>>)
    %scan3A = arith.constant 0 : i32
    %scan3A_27 = arith.constant 0 : i32
    %scan3A_28 = arith.constant 53 : i32
    %scan3A_29 = arith.addi %scan3A_27, %scan3A_28 : i32
    %scan3A_30 = arith.constant 1 : i32
    scf.for %scan3A_64 = %scan3A_27 to %scan3A_29 step %scan3A_30  : i32 {
      %mul3A_65 = arith.constant 3 : i32
      %mul3A_66 = arith.muli %scan3A_64, %mul3A_65 : i32
      %add3A_67 = arith.constant 0 : i32
      %add3A_68 = arith.addi %mul3A_66, %add3A_67 : i32
      %dma_wait3A = arith.constant 0 : i32
      %dma_wait3A_69 = tpu.memref_slice %arg6[%add3A_68, %dma_wait3A] : memref<159x64xi32, #tpu.memory_space<vmem>> -> memref<1x64xi32, #tpu.memory_space<vmem>>
      %dma_wait3A_70 = tpu.memref_squeeze %dma_wait3A_69 : memref<1x64xi32, #tpu.memory_space<vmem>> -> memref<64xi32, #tpu.memory_space<vmem>>
      %dma_wait3A_71 = arith.constant 0 : i32
      %dma_wait3A_72 = arith.constant 0 : i32
      %dma_wait3A_73 = tpu.memref_slice %arg5[%dma_wait3A_71, %dma_wait3A_72] : memref<10000x128xf32, #tpu.memory_space<vmem_shared>> -> memref<10000x128xf32, #tpu.memory_space<vmem_shared>>
      tpu.wait_indirect_dma semaphore(%arg13 : memref<!tpu.dma_semaphore, #tpu.memory_space<semaphore_mem>>) src(%dma_wait3A_73 : memref<10000x128xf32, #tpu.memory_space<vmem_shared>>) dst(%arg7 : memref<64x128xf32, #tpu.memory_space<vmem>>)
      %gt3A = arith.constant 0 : i32
      %gt3A_74 = arith.cmpi sgt, %scan3A_64, %gt3A : i32
      %sub3A = arith.constant 3 : i32
      %sub3A_75 = arith.subi %add3A_68, %sub3A : i32
      %mul3A_76 = arith.constant 318 : i32
      %mul3A_77 = arith.muli %add3A, %mul3A_76 : i32
      %mul3A_78 = arith.constant 2 : i32
      %mul3A_79 = arith.muli %mul3A_78, %sub3A_75 : i32
      %add3A_80 = arith.addi %mul3A_77, %mul3A_79 : i32
      %add3A_81 = arith.constant 2 : i32
      %add3A_82 = arith.addi %add3A_80, %add3A_81 : i32
      %le3A_83 = arith.constant 10000 : i32
      %le3A_84 = arith.cmpi sle, %add3A_82, %le3A_83 : i32
      %and3A = arith.andi %gt3A_74, %le3A_84 : i1
      %convert_element_type3A_85 = arith.extui %and3A : i1 to i32
      %cond3A_86 = arith.constant 0 : i32
      %cond3A_87 = arith.cmpi ne, %convert_element_type3A_85, %cond3A_86 : i32
      scf.if %cond3A_87 {
        %mul3A_659 = arith.constant 318 : i32
        %mul3A_660 = arith.muli %add3A, %mul3A_659 : i32
        %mul3A_661 = arith.constant 2 : i32
        %mul3A_662 = arith.muli %mul3A_661, %add3A_68 : i32
        %add3A_663 = arith.addi %mul3A_660, %mul3A_662 : i32
        %mul3A_664 = arith.constant 128 : i32
        %mul3A_665 = arith.muli %add3A_663, %mul3A_664 : i32
        %dma_wait3A_666 = tpu.memref_slice %arg4[%mul3A_665] : memref<1280000xf32, #tpu.memory_space<hbm>> -> memref<256xf32, #tpu.memory_space<hbm>>
        %dma_wait3A_667 = tpu.memref_slice %arg4[%mul3A_665] : memref<1280000xf32, #tpu.memory_space<hbm>> -> memref<256xf32, #tpu.memory_space<hbm>>
        tpu.wait_dma2 semaphore(%arg16 : memref<!tpu.dma_semaphore, #tpu.memory_space<semaphore_mem>>) src(%arg10 : memref<256xf32, #tpu.memory_space<vmem>>) dst(%dma_wait3A_667 : memref<256xf32, #tpu.memory_space<hbm>>)
      } else {
      }
      %get3A = arith.constant 0 : i32
      %get3A_88 = arith.index_cast %get3A : i32 to index
      %get3A_89 = arith.constant 0 : index
      %get3A_90 = tpu.vector_load %arg7[%get3A_88, %get3A_89] {strides = array<i32>} : memref<64x128xf32, #tpu.memory_space<vmem>>, vector<1x16xf32>,
      %get3A_91 = vector.shape_cast %get3A_90 : vector<1x16xf32> to vector<16xf32>
      %get3A_92 = arith.constant 0 : i32
      %get3A_93 = arith.index_cast %get3A_92 : i32 to index
      %get3A_94 = arith.constant 16 : index
      %get3A_95 = tpu.vector_load %arg7[%get3A_93, %get3A_94] {strides = array<i32>} : memref<64x128xf32, #tpu.memory_space<vmem>>, vector<1x16xf32>,
      %get3A_96 = vector.shape_cast %get3A_95 : vector<1x16xf32> to vector<16xf32>
      %get3A_97 = arith.constant 0 : i32
      %get3A_98 = arith.index_cast %get3A_97 : i32 to index
      %get3A_99 = arith.constant 32 : index
      %get3A_100 = tpu.vector_load %arg7[%get3A_98, %get3A_99] {strides = array<i32>} : memref<64x128xf32, #tpu.memory_space<vmem>>, vector<1x16xf32>,
      %get3A_101 = vector.shape_cast %get3A_100 : vector<1x16xf32> to vector<16xf32>
      %get3A_102 = arith.constant 0 : i32
      %get3A_103 = arith.index_cast %get3A_102 : i32 to index
      %get3A_104 = arith.constant 48 : index
      %get3A_105 = tpu.vector_load %arg7[%get3A_103, %get3A_104] {strides = array<i32>} : memref<64x128xf32, #tpu.memory_space<vmem>>, vector<1x16xf32>,
      %get3A_106 = vector.shape_cast %get3A_105 : vector<1x16xf32> to vector<16xf32>
      %get3A_107 = arith.constant 0 : i32
      %get3A_108 = arith.index_cast %get3A_107 : i32 to index
      %get3A_109 = arith.constant 64 : index
      %get3A_110 = tpu.vector_load %arg7[%get3A_108, %get3A_109] {strides = array<i32>} : memref<64x128xf32, #tpu.memory_space<vmem>>, vector<1x16xf32>,
      %get3A_111 = vector.shape_cast %get3A_110 : vector<1x16xf32> to vector<16xf32>
      %get3A_112 = arith.constant 0 : i32
      %get3A_113 = arith.index_cast %get3A_112 : i32 to index
      %get3A_114 = arith.constant 80 : index
      %get3A_115 = tpu.vector_load %arg7[%get3A_113, %get3A_114] {strides = array<i32>} : memref<64x128xf32, #tpu.memory_space<vmem>>, vector<1x16xf32>,
      %get3A_116 = vector.shape_cast %get3A_115 : vector<1x16xf32> to vector<16xf32>
      %get3A_117 = arith.constant 0 : i32
      %get3A_118 = arith.index_cast %get3A_117 : i32 to index
      %get3A_119 = arith.constant 96 : index
      %get3A_120 = tpu.vector_load %arg7[%get3A_118, %get3A_119] {strides = array<i32>} : memref<64x128xf32, #tpu.memory_space<vmem>>, vector<1x16xf32>,
      %get3A_121 = vector.shape_cast %get3A_120 : vector<1x16xf32> to vector<16xf32>
      %get3A_122 = arith.constant 0 : i32
      %get3A_123 = arith.index_cast %get3A_122 : i32 to index
      %get3A_124 = arith.constant 112 : index
      %get3A_125 = tpu.vector_load %arg7[%get3A_123, %get3A_124] {strides = array<i32>} : memref<64x128xf32, #tpu.memory_space<vmem>>, vector<1x16xf32>,
      %get3A_126 = vector.shape_cast %get3A_125 : vector<1x16xf32> to vector<16xf32>
      %scan3A_127 = arith.constant 1 : i32
      %scan3A_128 = arith.constant 31 : i32
      %scan3A_129 = arith.addi %scan3A_127, %scan3A_128 : i32
      %scan3A_130 = arith.constant 1 : i32
      %scan3A_131:8 = scf.for %scan3A_659 = %scan3A_127 to %scan3A_129 step %scan3A_130 iter_args(%scan3A_660 = %get3A_91, %scan3A_661 = %get3A_96, %scan3A_662 = %get3A_101, %scan3A_663 = %get3A_106, %scan3A_664 = %get3A_111, %scan3A_665 = %get3A_116, %scan3A_666 = %get3A_121, %scan3A_667 = %get3A_126) -> (vector<16xf32>, vector<16xf32>, vector<16xf32>, vector<16xf32>, vector<16xf32>, vector<16xf32>, vector<16xf32>, vector<16xf32>)  : i32 {
        %add3A_668 = arith.constant 0 : i32
        %add3A_669 = arith.addi %add3A_668, %scan3A_659 : i32
        %get3A_670 = arith.index_cast %add3A_669 : i32 to index
        %get3A_671 = arith.constant 0 : index
        %get3A_672 = tpu.vector_load %arg7[%get3A_670, %get3A_671] {strides = array<i32>} : memref<64x128xf32, #tpu.memory_space<vmem>>, vector<1x16xf32>,
        %get3A_673 = vector.shape_cast %get3A_672 : vector<1x16xf32> to vector<16xf32>
        %add3A_674 = arith.addf %scan3A_660, %get3A_673 : vector<16xf32>
        %add3A_675 = arith.constant 0 : i32
        %add3A_676 = arith.addi %add3A_675, %scan3A_659 : i32
        %get3A_677 = arith.index_cast %add3A_676 : i32 to index
        %get3A_678 = arith.constant 16 : index
        %get3A_679 = tpu.vector_load %arg7[%get3A_677, %get3A_678] {strides = array<i32>} : memref<64x128xf32, #tpu.memory_space<vmem>>, vector<1x16xf32>,
        %get3A_680 = vector.shape_cast %get3A_679 : vector<1x16xf32> to vector<16xf32>
        %add3A_681 = arith.addf %scan3A_661, %get3A_680 : vector<16xf32>
        %add3A_682 = arith.constant 0 : i32
        %add3A_683 = arith.addi %add3A_682, %scan3A_659 : i32
        %get3A_684 = arith.index_cast %add3A_683 : i32 to index
        %get3A_685 = arith.constant 32 : index
        %get3A_686 = tpu.vector_load %arg7[%get3A_684, %get3A_685] {strides = array<i32>} : memref<64x128xf32, #tpu.memory_space<vmem>>, vector<1x16xf32>,
        %get3A_687 = vector.shape_cast %get3A_686 : vector<1x16xf32> to vector<16xf32>
        %add3A_688 = arith.addf %scan3A_662, %get3A_687 : vector<16xf32>
        %add3A_689 = arith.constant 0 : i32
        %add3A_690 = arith.addi %add3A_689, %scan3A_659 : i32
        %get3A_691 = arith.index_cast %add3A_690 : i32 to index
        %get3A_692 = arith.constant 48 : index
        %get3A_693 = tpu.vector_load %arg7[%get3A_691, %get3A_692] {strides = array<i32>} : memref<64x128xf32, #tpu.memory_space<vmem>>, vector<1x16xf32>,
        %get3A_694 = vector.shape_cast %get3A_693 : vector<1x16xf32> to vector<16xf32>
        %add3A_695 = arith.addf %scan3A_663, %get3A_694 : vector<16xf32>
        %add3A_696 = arith.constant 0 : i32
        %add3A_697 = arith.addi %add3A_696, %scan3A_659 : i32
        %get3A_698 = arith.index_cast %add3A_697 : i32 to index
        %get3A_699 = arith.constant 64 : index
        %get3A_700 = tpu.vector_load %arg7[%get3A_698, %get3A_699] {strides = array<i32>} : memref<64x128xf32, #tpu.memory_space<vmem>>, vector<1x16xf32>,
        %get3A_701 = vector.shape_cast %get3A_700 : vector<1x16xf32> to vector<16xf32>
        %add3A_702 = arith.addf %scan3A_664, %get3A_701 : vector<16xf32>
        %add3A_703 = arith.constant 0 : i32
        %add3A_704 = arith.addi %add3A_703, %scan3A_659 : i32
        %get3A_705 = arith.index_cast %add3A_704 : i32 to index
        %get3A_706 = arith.constant 80 : index
        %get3A_707 = tpu.vector_load %arg7[%get3A_705, %get3A_706] {strides = array<i32>} : memref<64x128xf32, #tpu.memory_space<vmem>>, vector<1x16xf32>,
        %get3A_708 = vector.shape_cast %get3A_707 : vector<1x16xf32> to vector<16xf32>
        %add3A_709 = arith.addf %scan3A_665, %get3A_708 : vector<16xf32>
        %add3A_710 = arith.constant 0 : i32
        %add3A_711 = arith.addi %add3A_710, %scan3A_659 : i32
        %get3A_712 = arith.index_cast %add3A_711 : i32 to index
        %get3A_713 = arith.constant 96 : index
        %get3A_714 = tpu.vector_load %arg7[%get3A_712, %get3A_713] {strides = array<i32>} : memref<64x128xf32, #tpu.memory_space<vmem>>, vector<1x16xf32>,
        %get3A_715 = vector.shape_cast %get3A_714 : vector<1x16xf32> to vector<16xf32>
        %add3A_716 = arith.addf %scan3A_666, %get3A_715 : vector<16xf32>
        %add3A_717 = arith.constant 0 : i32
        %add3A_718 = arith.addi %add3A_717, %scan3A_659 : i32
        %get3A_719 = arith.index_cast %add3A_718 : i32 to index
        %get3A_720 = arith.constant 112 : index
        %get3A_721 = tpu.vector_load %arg7[%get3A_719, %get3A_720] {strides = array<i32>} : memref<64x128xf32, #tpu.memory_space<vmem>>, vector<1x16xf32>,
        %get3A_722 = vector.shape_cast %get3A_721 : vector<1x16xf32> to vector<16xf32>
        %add3A_723 = arith.addf %scan3A_667, %get3A_722 : vector<16xf32>
        scf.yield %add3A_674, %add3A_681, %add3A_688, %add3A_695, %add3A_702, %add3A_709, %add3A_716, %add3A_723 : vector<16xf32>, vector<16xf32>, vector<16xf32>, vector<16xf32>, vector<16xf32>, vector<16xf32>, vector<16xf32>, vector<16xf32>
      }
      %scan3A_132 = arith.constant 31 : i32
      %swap3A = arith.constant 0 : index
      %swap3A_133 = tpu.vector_load %arg10[%swap3A] {strides = array<i32>} : memref<256xf32, #tpu.memory_space<vmem>>, vector<16xf32>,
      %swap3A_134 = vector.shape_cast %swap3A_133 : vector<16xf32> to vector<16xf32>
      %swap3A_135 = vector.shape_cast %scan3A_131#0 : vector<16xf32> to vector<16xf32>
      tpu.vector_store %arg10[%swap3A], %swap3A_135 {strides = array<i32>} : memref<256xf32, #tpu.memory_space<vmem>>, vector<16xf32>,
      %swap3A_136 = arith.constant 16 : index
      %swap3A_137 = tpu.vector_load %arg10[%swap3A_136] {strides = array<i32>} : memref<256xf32, #tpu.memory_space<vmem>>, vector<16xf32>,
      %swap3A_138 = vector.shape_cast %swap3A_137 : vector<16xf32> to vector<16xf32>
      %swap3A_139 = vector.shape_cast %scan3A_131#1 : vector<16xf32> to vector<16xf32>
      tpu.vector_store %arg10[%swap3A_136], %swap3A_139 {strides = array<i32>} : memref<256xf32, #tpu.memory_space<vmem>>, vector<16xf32>,
      %swap3A_140 = arith.constant 32 : index
      %swap3A_141 = tpu.vector_load %arg10[%swap3A_140] {strides = array<i32>} : memref<256xf32, #tpu.memory_space<vmem>>, vector<16xf32>,
      %swap3A_142 = vector.shape_cast %swap3A_141 : vector<16xf32> to vector<16xf32>
      %swap3A_143 = vector.shape_cast %scan3A_131#2 : vector<16xf32> to vector<16xf32>
      tpu.vector_store %arg10[%swap3A_140], %swap3A_143 {strides = array<i32>} : memref<256xf32, #tpu.memory_space<vmem>>, vector<16xf32>,
      %swap3A_144 = arith.constant 48 : index
      %swap3A_145 = tpu.vector_load %arg10[%swap3A_144] {strides = array<i32>} : memref<256xf32, #tpu.memory_space<vmem>>, vector<16xf32>,
      %swap3A_146 = vector.shape_cast %swap3A_145 : vector<16xf32> to vector<16xf32>
      %swap3A_147 = vector.shape_cast %scan3A_131#3 : vector<16xf32> to vector<16xf32>
      tpu.vector_store %arg10[%swap3A_144], %swap3A_147 {strides = array<i32>} : memref<256xf32, #tpu.memory_space<vmem>>, vector<16xf32>,
      %swap3A_148 = arith.constant 64 : index
      %swap3A_149 = tpu.vector_load %arg10[%swap3A_148] {strides = array<i32>} : memref<256xf32, #tpu.memory_space<vmem>>, vector<16xf32>,
      %swap3A_150 = vector.shape_cast %swap3A_149 : vector<16xf32> to vector<16xf32>
      %swap3A_151 = vector.shape_cast %scan3A_131#4 : vector<16xf32> to vector<16xf32>
      tpu.vector_store %arg10[%swap3A_148], %swap3A_151 {strides = array<i32>} : memref<256xf32, #tpu.memory_space<vmem>>, vector<16xf32>,
      %swap3A_152 = arith.constant 80 : index
      %swap3A_153 = tpu.vector_load %arg10[%swap3A_152] {strides = array<i32>} : memref<256xf32, #tpu.memory_space<vmem>>, vector<16xf32>,
      %swap3A_154 = vector.shape_cast %swap3A_153 : vector<16xf32> to vector<16xf32>
      %swap3A_155 = vector.shape_cast %scan3A_131#5 : vector<16xf32> to vector<16xf32>
      tpu.vector_store %arg10[%swap3A_152], %swap3A_155 {strides = array<i32>} : memref<256xf32, #tpu.memory_space<vmem>>, vector<16xf32>,
      %swap3A_156 = arith.constant 96 : index
      %swap3A_157 = tpu.vector_load %arg10[%swap3A_156] {strides = array<i32>} : memref<256xf32, #tpu.memory_space<vmem>>, vector<16xf32>,
      %swap3A_158 = vector.shape_cast %swap3A_157 : vector<16xf32> to vector<16xf32>
      %swap3A_159 = vector.shape_cast %scan3A_131#6 : vector<16xf32> to vector<16xf32>
      tpu.vector_store %arg10[%swap3A_156], %swap3A_159 {strides = array<i32>} : memref<256xf32, #tpu.memory_space<vmem>>, vector<16xf32>,
      %swap3A_160 = arith.constant 112 : index
      %swap3A_161 = tpu.vector_load %arg10[%swap3A_160] {strides = array<i32>} : memref<256xf32, #tpu.memory_space<vmem>>, vector<16xf32>,
      %swap3A_162 = vector.shape_cast %swap3A_161 : vector<16xf32> to vector<16xf32>
      %swap3A_163 = vector.shape_cast %scan3A_131#7 : vector<16xf32> to vector<16xf32>
      tpu.vector_store %arg10[%swap3A_160], %swap3A_163 {strides = array<i32>} : memref<256xf32, #tpu.memory_space<vmem>>, vector<16xf32>,
      %get3A_164 = arith.constant 32 : i32
      %get3A_165 = arith.index_cast %get3A_164 : i32 to index
      %get3A_166 = arith.constant 0 : index
      %get3A_167 = tpu.vector_load %arg7[%get3A_165, %get3A_166] {strides = array<i32>} : memref<64x128xf32, #tpu.memory_space<vmem>>, vector<1x16xf32>,
      %get3A_168 = vector.shape_cast %get3A_167 : vector<1x16xf32> to vector<16xf32>
      %get3A_169 = arith.constant 32 : i32
      %get3A_170 = arith.index_cast %get3A_169 : i32 to index
      %get3A_171 = arith.constant 16 : index
      %get3A_172 = tpu.vector_load %arg7[%get3A_170, %get3A_171] {strides = array<i32>} : memref<64x128xf32, #tpu.memory_space<vmem>>, vector<1x16xf32>,
      %get3A_173 = vector.shape_cast %get3A_172 : vector<1x16xf32> to vector<16xf32>
      %get3A_174 = arith.constant 32 : i32
      %get3A_175 = arith.index_cast %get3A_174 : i32 to index
      %get3A_176 = arith.constant 32 : index
      %get3A_177 = tpu.vector_load %arg7[%get3A_175, %get3A_176] {strides = array<i32>} : memref<64x128xf32, #tpu.memory_space<vmem>>, vector<1x16xf32>,
      %get3A_178 = vector.shape_cast %get3A_177 : vector<1x16xf32> to vector<16xf32>
      %get3A_179 = arith.constant 32 : i32
      %get3A_180 = arith.index_cast %get3A_179 : i32 to index
      %get3A_181 = arith.constant 48 : index
      %get3A_182 = tpu.vector_load %arg7[%get3A_180, %get3A_181] {strides = array<i32>} : memref<64x128xf32, #tpu.memory_space<vmem>>, vector<1x16xf32>,
      %get3A_183 = vector.shape_cast %get3A_182 : vector<1x16xf32> to vector<16xf32>
      %get3A_184 = arith.constant 32 : i32
      %get3A_185 = arith.index_cast %get3A_184 : i32 to index
      %get3A_186 = arith.constant 64 : index
      %get3A_187 = tpu.vector_load %arg7[%get3A_185, %get3A_186] {strides = array<i32>} : memref<64x128xf32, #tpu.memory_space<vmem>>, vector<1x16xf32>,
      %get3A_188 = vector.shape_cast %get3A_187 : vector<1x16xf32> to vector<16xf32>
      %get3A_189 = arith.constant 32 : i32
      %get3A_190 = arith.index_cast %get3A_189 : i32 to index
      %get3A_191 = arith.constant 80 : index
      %get3A_192 = tpu.vector_load %arg7[%get3A_190, %get3A_191] {strides = array<i32>} : memref<64x128xf32, #tpu.memory_space<vmem>>, vector<1x16xf32>,
      %get3A_193 = vector.shape_cast %get3A_192 : vector<1x16xf32> to vector<16xf32>
      %get3A_194 = arith.constant 32 : i32
      %get3A_195 = arith.index_cast %get3A_194 : i32 to index
      %get3A_196 = arith.constant 96 : index
      %get3A_197 = tpu.vector_load %arg7[%get3A_195, %get3A_196] {strides = array<i32>} : memref<64x128xf32, #tpu.memory_space<vmem>>, vector<1x16xf32>,
      %get3A_198 = vector.shape_cast %get3A_197 : vector<1x16xf32> to vector<16xf32>
      %get3A_199 = arith.constant 32 : i32
      %get3A_200 = arith.index_cast %get3A_199 : i32 to index
      %get3A_201 = arith.constant 112 : index
      %get3A_202 = tpu.vector_load %arg7[%get3A_200, %get3A_201] {strides = array<i32>} : memref<64x128xf32, #tpu.memory_space<vmem>>, vector<1x16xf32>,
      %get3A_203 = vector.shape_cast %get3A_202 : vector<1x16xf32> to vector<16xf32>
      %scan3A_204 = arith.constant 1 : i32
      %scan3A_205 = arith.constant 31 : i32
      %scan3A_206 = arith.addi %scan3A_204, %scan3A_205 : i32
      %scan3A_207 = arith.constant 1 : i32
      %scan3A_208:8 = scf.for %scan3A_659 = %scan3A_204 to %scan3A_206 step %scan3A_207 iter_args(%scan3A_660 = %get3A_168, %scan3A_661 = %get3A_173, %scan3A_662 = %get3A_178, %scan3A_663 = %get3A_183, %scan3A_664 = %get3A_188, %scan3A_665 = %get3A_193, %scan3A_666 = %get3A_198, %scan3A_667 = %get3A_203) -> (vector<16xf32>, vector<16xf32>, vector<16xf32>, vector<16xf32>, vector<16xf32>, vector<16xf32>, vector<16xf32>, vector<16xf32>)  : i32 {
        %add3A_668 = arith.constant 32 : i32
        %add3A_669 = arith.addi %add3A_668, %scan3A_659 : i32
        %get3A_670 = arith.index_cast %add3A_669 : i32 to index
        %get3A_671 = arith.constant 0 : index
        %get3A_672 = tpu.vector_load %arg7[%get3A_670, %get3A_671] {strides = array<i32>} : memref<64x128xf32, #tpu.memory_space<vmem>>, vector<1x16xf32>,
        %get3A_673 = vector.shape_cast %get3A_672 : vector<1x16xf32> to vector<16xf32>
        %add3A_674 = arith.addf %scan3A_660, %get3A_673 : vector<16xf32>
        %add3A_675 = arith.constant 32 : i32
        %add3A_676 = arith.addi %add3A_675, %scan3A_659 : i32
        %get3A_677 = arith.index_cast %add3A_676 : i32 to index
        %get3A_678 = arith.constant 16 : index
        %get3A_679 = tpu.vector_load %arg7[%get3A_677, %get3A_678] {strides = array<i32>} : memref<64x128xf32, #tpu.memory_space<vmem>>, vector<1x16xf32>,
        %get3A_680 = vector.shape_cast %get3A_679 : vector<1x16xf32> to vector<16xf32>
        %add3A_681 = arith.addf %scan3A_661, %get3A_680 : vector<16xf32>
        %add3A_682 = arith.constant 32 : i32
        %add3A_683 = arith.addi %add3A_682, %scan3A_659 : i32
        %get3A_684 = arith.index_cast %add3A_683 : i32 to index
        %get3A_685 = arith.constant 32 : index
        %get3A_686 = tpu.vector_load %arg7[%get3A_684, %get3A_685] {strides = array<i32>} : memref<64x128xf32, #tpu.memory_space<vmem>>, vector<1x16xf32>,
        %get3A_687 = vector.shape_cast %get3A_686 : vector<1x16xf32> to vector<16xf32>
        %add3A_688 = arith.addf %scan3A_662, %get3A_687 : vector<16xf32>
        %add3A_689 = arith.constant 32 : i32
        %add3A_690 = arith.addi %add3A_689, %scan3A_659 : i32
        %get3A_691 = arith.index_cast %add3A_690 : i32 to index
        %get3A_692 = arith.constant 48 : index
        %get3A_693 = tpu.vector_load %arg7[%get3A_691, %get3A_692] {strides = array<i32>} : memref<64x128xf32, #tpu.memory_space<vmem>>, vector<1x16xf32>,
        %get3A_694 = vector.shape_cast %get3A_693 : vector<1x16xf32> to vector<16xf32>
        %add3A_695 = arith.addf %scan3A_663, %get3A_694 : vector<16xf32>
        %add3A_696 = arith.constant 32 : i32
        %add3A_697 = arith.addi %add3A_696, %scan3A_659 : i32
        %get3A_698 = arith.index_cast %add3A_697 : i32 to index
        %get3A_699 = arith.constant 64 : index
        %get3A_700 = tpu.vector_load %arg7[%get3A_698, %get3A_699] {strides = array<i32>} : memref<64x128xf32, #tpu.memory_space<vmem>>, vector<1x16xf32>,
        %get3A_701 = vector.shape_cast %get3A_700 : vector<1x16xf32> to vector<16xf32>
        %add3A_702 = arith.addf %scan3A_664, %get3A_701 : vector<16xf32>
        %add3A_703 = arith.constant 32 : i32
        %add3A_704 = arith.addi %add3A_703, %scan3A_659 : i32
        %get3A_705 = arith.index_cast %add3A_704 : i32 to index
        %get3A_706 = arith.constant 80 : index
        %get3A_707 = tpu.vector_load %arg7[%get3A_705, %get3A_706] {strides = array<i32>} : memref<64x128xf32, #tpu.memory_space<vmem>>, vector<1x16xf32>,
        %get3A_708 = vector.shape_cast %get3A_707 : vector<1x16xf32> to vector<16xf32>
        %add3A_709 = arith.addf %scan3A_665, %get3A_708 : vector<16xf32>
        %add3A_710 = arith.constant 32 : i32
        %add3A_711 = arith.addi %add3A_710, %scan3A_659 : i32
        %get3A_712 = arith.index_cast %add3A_711 : i32 to index
        %get3A_713 = arith.constant 96 : index
        %get3A_714 = tpu.vector_load %arg7[%get3A_712, %get3A_713] {strides = array<i32>} : memref<64x128xf32, #tpu.memory_space<vmem>>, vector<1x16xf32>,
        %get3A_715 = vector.shape_cast %get3A_714 : vector<1x16xf32> to vector<16xf32>
        %add3A_716 = arith.addf %scan3A_666, %get3A_715 : vector<16xf32>
        %add3A_717 = arith.constant 32 : i32
        %add3A_718 = arith.addi %add3A_717, %scan3A_659 : i32
        %get3A_719 = arith.index_cast %add3A_718 : i32 to index
        %get3A_720 = arith.constant 112 : index
        %get3A_721 = tpu.vector_load %arg7[%get3A_719, %get3A_720] {strides = array<i32>} : memref<64x128xf32, #tpu.memory_space<vmem>>, vector<1x16xf32>,
        %get3A_722 = vector.shape_cast %get3A_721 : vector<1x16xf32> to vector<16xf32>
        %add3A_723 = arith.addf %scan3A_667, %get3A_722 : vector<16xf32>
        scf.yield %add3A_674, %add3A_681, %add3A_688, %add3A_695, %add3A_702, %add3A_709, %add3A_716, %add3A_723 : vector<16xf32>, vector<16xf32>, vector<16xf32>, vector<16xf32>, vector<16xf32>, vector<16xf32>, vector<16xf32>, vector<16xf32>
      }
      %scan3A_209 = arith.constant 31 : i32
      %swap3A_210 = arith.constant 128 : index
      %swap3A_211 = tpu.vector_load %arg10[%swap3A_210] {strides = array<i32>} : memref<256xf32, #tpu.memory_space<vmem>>, vector<16xf32>,
      %swap3A_212 = vector.shape_cast %swap3A_211 : vector<16xf32> to vector<16xf32>
      %swap3A_213 = vector.shape_cast %scan3A_208#0 : vector<16xf32> to vector<16xf32>
      tpu.vector_store %arg10[%swap3A_210], %swap3A_213 {strides = array<i32>} : memref<256xf32, #tpu.memory_space<vmem>>, vector<16xf32>,
      %swap3A_214 = arith.constant 144 : index
      %swap3A_215 = tpu.vector_load %arg10[%swap3A_214] {strides = array<i32>} : memref<256xf32, #tpu.memory_space<vmem>>, vector<16xf32>,
      %swap3A_216 = vector.shape_cast %swap3A_215 : vector<16xf32> to vector<16xf32>
      %swap3A_217 = vector.shape_cast %scan3A_208#1 : vector<16xf32> to vector<16xf32>
      tpu.vector_store %arg10[%swap3A_214], %swap3A_217 {strides = array<i32>} : memref<256xf32, #tpu.memory_space<vmem>>, vector<16xf32>,
      %swap3A_218 = arith.constant 160 : index
      %swap3A_219 = tpu.vector_load %arg10[%swap3A_218] {strides = array<i32>} : memref<256xf32, #tpu.memory_space<vmem>>, vector<16xf32>,
      %swap3A_220 = vector.shape_cast %swap3A_219 : vector<16xf32> to vector<16xf32>
      %swap3A_221 = vector.shape_cast %scan3A_208#2 : vector<16xf32> to vector<16xf32>
      tpu.vector_store %arg10[%swap3A_218], %swap3A_221 {strides = array<i32>} : memref<256xf32, #tpu.memory_space<vmem>>, vector<16xf32>,
      %swap3A_222 = arith.constant 176 : index
      %swap3A_223 = tpu.vector_load %arg10[%swap3A_222] {strides = array<i32>} : memref<256xf32, #tpu.memory_space<vmem>>, vector<16xf32>,
      %swap3A_224 = vector.shape_cast %swap3A_223 : vector<16xf32> to vector<16xf32>
      %swap3A_225 = vector.shape_cast %scan3A_208#3 : vector<16xf32> to vector<16xf32>
      tpu.vector_store %arg10[%swap3A_222], %swap3A_225 {strides = array<i32>} : memref<256xf32, #tpu.memory_space<vmem>>, vector<16xf32>,
      %swap3A_226 = arith.constant 192 : index
      %swap3A_227 = tpu.vector_load %arg10[%swap3A_226] {strides = array<i32>} : memref<256xf32, #tpu.memory_space<vmem>>, vector<16xf32>,
      %swap3A_228 = vector.shape_cast %swap3A_227 : vector<16xf32> to vector<16xf32>
      %swap3A_229 = vector.shape_cast %scan3A_208#4 : vector<16xf32> to vector<16xf32>
      tpu.vector_store %arg10[%swap3A_226], %swap3A_229 {strides = array<i32>} : memref<256xf32, #tpu.memory_space<vmem>>, vector<16xf32>,
      %swap3A_230 = arith.constant 208 : index
      %swap3A_231 = tpu.vector_load %arg10[%swap3A_230] {strides = array<i32>} : memref<256xf32, #tpu.memory_space<vmem>>, vector<16xf32>,
      %swap3A_232 = vector.shape_cast %swap3A_231 : vector<16xf32> to vector<16xf32>
      %swap3A_233 = vector.shape_cast %scan3A_208#5 : vector<16xf32> to vector<16xf32>
      tpu.vector_store %arg10[%swap3A_230], %swap3A_233 {strides = array<i32>} : memref<256xf32, #tpu.memory_space<vmem>>, vector<16xf32>,
      %swap3A_234 = arith.constant 224 : index
      %swap3A_235 = tpu.vector_load %arg10[%swap3A_234] {strides = array<i32>} : memref<256xf32, #tpu.memory_space<vmem>>, vector<16xf32>,
      %swap3A_236 = vector.shape_cast %swap3A_235 : vector<16xf32> to vector<16xf32>
      %swap3A_237 = vector.shape_cast %scan3A_208#6 : vector<16xf32> to vector<16xf32>
      tpu.vector_store %arg10[%swap3A_234], %swap3A_237 {strides = array<i32>} : memref<256xf32, #tpu.memory_space<vmem>>, vector<16xf32>,
      %swap3A_238 = arith.constant 240 : index
      %swap3A_239 = tpu.vector_load %arg10[%swap3A_238] {strides = array<i32>} : memref<256xf32, #tpu.memory_space<vmem>>, vector<16xf32>,
      %swap3A_240 = vector.shape_cast %swap3A_239 : vector<16xf32> to vector<16xf32>
      %swap3A_241 = vector.shape_cast %scan3A_208#7 : vector<16xf32> to vector<16xf32>
      tpu.vector_store %arg10[%swap3A_238], %swap3A_241 {strides = array<i32>} : memref<256xf32, #tpu.memory_space<vmem>>, vector<16xf32>,
      %mul3A_242 = arith.constant 318 : i32
      %mul3A_243 = arith.muli %add3A, %mul3A_242 : i32
      %mul3A_244 = arith.constant 2 : i32
      %mul3A_245 = arith.muli %mul3A_244, %add3A_68 : i32
      %add3A_246 = arith.addi %mul3A_243, %mul3A_245 : i32
      %add3A_247 = arith.constant 2 : i32
      %add3A_248 = arith.addi %add3A_246, %add3A_247 : i32
      %le3A_249 = arith.constant 10000 : i32
      %le3A_250 = arith.cmpi sle, %add3A_248, %le3A_249 : i32
      %convert_element_type3A_251 = arith.extui %le3A_250 : i1 to i32
      %cond3A_252 = arith.constant 0 : i32
      %cond3A_253 = arith.cmpi ne, %convert_element_type3A_251, %cond3A_252 : i32
      scf.if %cond3A_253 {
        %mul3A_659 = arith.constant 318 : i32
        %mul3A_660 = arith.muli %add3A, %mul3A_659 : i32
        %mul3A_661 = arith.constant 2 : i32
        %mul3A_662 = arith.muli %mul3A_661, %add3A_68 : i32
        %add3A_663 = arith.addi %mul3A_660, %mul3A_662 : i32
        %mul3A_664 = arith.constant 128 : i32
        %mul3A_665 = arith.muli %add3A_663, %mul3A_664 : i32
        %dma_start3A_666 = tpu.memref_slice %arg4[%mul3A_665] : memref<1280000xf32, #tpu.memory_space<hbm>> -> memref<256xf32, #tpu.memory_space<hbm>>
        %dma_start3A_667 = tpu.memref_slice %arg4[%mul3A_665] : memref<1280000xf32, #tpu.memory_space<hbm>> -> memref<256xf32, #tpu.memory_space<hbm>>
        tpu.enqueue_dma source(%arg10 : memref<256xf32, #tpu.memory_space<vmem>>) target(%dma_start3A_667 : memref<256xf32, #tpu.memory_space<hbm>>) target_semaphore(%arg16 : memref<!tpu.dma_semaphore, #tpu.memory_space<semaphore_mem>>)
      } else {
      }
      %lt3A_254 = arith.constant 52 : i32
      %lt3A_255 = arith.cmpi slt, %scan3A_64, %lt3A_254 : i32
      %convert_element_type3A_256 = arith.extui %lt3A_255 : i1 to i32
      %cond3A_257 = arith.constant 0 : i32
      %cond3A_258 = arith.cmpi ne, %convert_element_type3A_256, %cond3A_257 : i32
      scf.if %cond3A_258 {
        %add3A_659 = arith.constant 3 : i32
        %add3A_660 = arith.addi %add3A_68, %add3A_659 : i32
        %dma_start3A_661 = arith.constant 0 : i32
        %dma_start3A_662 = tpu.memref_slice %arg6[%add3A_660, %dma_start3A_661] : memref<159x64xi32, #tpu.memory_space<vmem>> -> memref<1x64xi32, #tpu.memory_space<vmem>>
        %dma_start3A_663 = tpu.memref_squeeze %dma_start3A_662 : memref<1x64xi32, #tpu.memory_space<vmem>> -> memref<64xi32, #tpu.memory_space<vmem>>
        %dma_start3A_664 = arith.constant 0 : i32
        %dma_start3A_665 = arith.constant 0 : i32
        %dma_start3A_666 = tpu.memref_slice %arg5[%dma_start3A_664, %dma_start3A_665] : memref<10000x128xf32, #tpu.memory_space<vmem_shared>> -> memref<10000x128xf32, #tpu.memory_space<vmem_shared>>
        tpu.enqueue_indirect_dma source(%dma_start3A_666 : memref<10000x128xf32, #tpu.memory_space<vmem_shared>>) target(%arg7 : memref<64x128xf32, #tpu.memory_space<vmem>>) offsets(%dma_start3A_663 : memref<64xi32, #tpu.memory_space<vmem>>) semaphore(%arg13 : memref<!tpu.dma_semaphore, #tpu.memory_space<semaphore_mem>>)
      } else {
      }
      %mul3A_259 = arith.constant 3 : i32
      %mul3A_260 = arith.muli %scan3A_64, %mul3A_259 : i32
      %add3A_261 = arith.constant 1 : i32
      %add3A_262 = arith.addi %mul3A_260, %add3A_261 : i32
      %dma_wait3A_263 = arith.constant 0 : i32
      %dma_wait3A_264 = tpu.memref_slice %arg6[%add3A_262, %dma_wait3A_263] : memref<159x64xi32, #tpu.memory_space<vmem>> -> memref<1x64xi32, #tpu.memory_space<vmem>>
      %dma_wait3A_265 = tpu.memref_squeeze %dma_wait3A_264 : memref<1x64xi32, #tpu.memory_space<vmem>> -> memref<64xi32, #tpu.memory_space<vmem>>
      %dma_wait3A_266 = arith.constant 0 : i32
      %dma_wait3A_267 = arith.constant 0 : i32
      %dma_wait3A_268 = tpu.memref_slice %arg5[%dma_wait3A_266, %dma_wait3A_267] : memref<10000x128xf32, #tpu.memory_space<vmem_shared>> -> memref<10000x128xf32, #tpu.memory_space<vmem_shared>>
      tpu.wait_indirect_dma semaphore(%arg14 : memref<!tpu.dma_semaphore, #tpu.memory_space<semaphore_mem>>) src(%dma_wait3A_268 : memref<10000x128xf32, #tpu.memory_space<vmem_shared>>) dst(%arg8 : memref<64x128xf32, #tpu.memory_space<vmem>>)
      %gt3A_269 = arith.constant 0 : i32
      %gt3A_270 = arith.cmpi sgt, %scan3A_64, %gt3A_269 : i32
      %sub3A_271 = arith.constant 3 : i32
      %sub3A_272 = arith.subi %add3A_262, %sub3A_271 : i32
      %mul3A_273 = arith.constant 318 : i32
      %mul3A_274 = arith.muli %add3A, %mul3A_273 : i32
      %mul3A_275 = arith.constant 2 : i32
      %mul3A_276 = arith.muli %mul3A_275, %sub3A_272 : i32
      %add3A_277 = arith.addi %mul3A_274, %mul3A_276 : i32
      %add3A_278 = arith.constant 2 : i32
      %add3A_279 = arith.addi %add3A_277, %add3A_278 : i32
      %le3A_280 = arith.constant 10000 : i32
      %le3A_281 = arith.cmpi sle, %add3A_279, %le3A_280 : i32
      %and3A_282 = arith.andi %gt3A_270, %le3A_281 : i1
      %convert_element_type3A_283 = arith.extui %and3A_282 : i1 to i32
      %cond3A_284 = arith.constant 0 : i32
      %cond3A_285 = arith.cmpi ne, %convert_element_type3A_283, %cond3A_284 : i32
      scf.if %cond3A_285 {
        %mul3A_659 = arith.constant 318 : i32
        %mul3A_660 = arith.muli %add3A, %mul3A_659 : i32
        %mul3A_661 = arith.constant 2 : i32
        %mul3A_662 = arith.muli %mul3A_661, %add3A_262 : i32
        %add3A_663 = arith.addi %mul3A_660, %mul3A_662 : i32
        %mul3A_664 = arith.constant 128 : i32
        %mul3A_665 = arith.muli %add3A_663, %mul3A_664 : i32
        %dma_wait3A_666 = tpu.memref_slice %arg4[%mul3A_665] : memref<1280000xf32, #tpu.memory_space<hbm>> -> memref<256xf32, #tpu.memory_space<hbm>>
        %dma_wait3A_667 = tpu.memref_slice %arg4[%mul3A_665] : memref<1280000xf32, #tpu.memory_space<hbm>> -> memref<256xf32, #tpu.memory_space<hbm>>
        tpu.wait_dma2 semaphore(%arg17 : memref<!tpu.dma_semaphore, #tpu.memory_space<semaphore_mem>>) src(%arg11 : memref<256xf32, #tpu.memory_space<vmem>>) dst(%dma_wait3A_667 : memref<256xf32, #tpu.memory_space<hbm>>)
      } else {
      }
      %get3A_286 = arith.constant 0 : i32
      %get3A_287 = arith.index_cast %get3A_286 : i32 to index
      %get3A_288 = arith.constant 0 : index
      %get3A_289 = tpu.vector_load %arg8[%get3A_287, %get3A_288] {strides = array<i32>} : memref<64x128xf32, #tpu.memory_space<vmem>>, vector<1x16xf32>,
      %get3A_290 = vector.shape_cast %get3A_289 : vector<1x16xf32> to vector<16xf32>
      %get3A_291 = arith.constant 0 : i32
      %get3A_292 = arith.index_cast %get3A_291 : i32 to index
      %get3A_293 = arith.constant 16 : index
      %get3A_294 = tpu.vector_load %arg8[%get3A_292, %get3A_293] {strides = array<i32>} : memref<64x128xf32, #tpu.memory_space<vmem>>, vector<1x16xf32>,
      %get3A_295 = vector.shape_cast %get3A_294 : vector<1x16xf32> to vector<16xf32>
      %get3A_296 = arith.constant 0 : i32
      %get3A_297 = arith.index_cast %get3A_296 : i32 to index
      %get3A_298 = arith.constant 32 : index
      %get3A_299 = tpu.vector_load %arg8[%get3A_297, %get3A_298] {strides = array<i32>} : memref<64x128xf32, #tpu.memory_space<vmem>>, vector<1x16xf32>,
      %get3A_300 = vector.shape_cast %get3A_299 : vector<1x16xf32> to vector<16xf32>
      %get3A_301 = arith.constant 0 : i32
      %get3A_302 = arith.index_cast %get3A_301 : i32 to index
      %get3A_303 = arith.constant 48 : index
      %get3A_304 = tpu.vector_load %arg8[%get3A_302, %get3A_303] {strides = array<i32>} : memref<64x128xf32, #tpu.memory_space<vmem>>, vector<1x16xf32>,
      %get3A_305 = vector.shape_cast %get3A_304 : vector<1x16xf32> to vector<16xf32>
      %get3A_306 = arith.constant 0 : i32
      %get3A_307 = arith.index_cast %get3A_306 : i32 to index
      %get3A_308 = arith.constant 64 : index
      %get3A_309 = tpu.vector_load %arg8[%get3A_307, %get3A_308] {strides = array<i32>} : memref<64x128xf32, #tpu.memory_space<vmem>>, vector<1x16xf32>,
      %get3A_310 = vector.shape_cast %get3A_309 : vector<1x16xf32> to vector<16xf32>
      %get3A_311 = arith.constant 0 : i32
      %get3A_312 = arith.index_cast %get3A_311 : i32 to index
      %get3A_313 = arith.constant 80 : index
      %get3A_314 = tpu.vector_load %arg8[%get3A_312, %get3A_313] {strides = array<i32>} : memref<64x128xf32, #tpu.memory_space<vmem>>, vector<1x16xf32>,
      %get3A_315 = vector.shape_cast %get3A_314 : vector<1x16xf32> to vector<16xf32>
      %get3A_316 = arith.constant 0 : i32
      %get3A_317 = arith.index_cast %get3A_316 : i32 to index
      %get3A_318 = arith.constant 96 : index
      %get3A_319 = tpu.vector_load %arg8[%get3A_317, %get3A_318] {strides = array<i32>} : memref<64x128xf32, #tpu.memory_space<vmem>>, vector<1x16xf32>,
      %get3A_320 = vector.shape_cast %get3A_319 : vector<1x16xf32> to vector<16xf32>
      %get3A_321 = arith.constant 0 : i32
      %get3A_322 = arith.index_cast %get3A_321 : i32 to index
      %get3A_323 = arith.constant 112 : index
      %get3A_324 = tpu.vector_load %arg8[%get3A_322, %get3A_323] {strides = array<i32>} : memref<64x128xf32, #tpu.memory_space<vmem>>, vector<1x16xf32>,
      %get3A_325 = vector.shape_cast %get3A_324 : vector<1x16xf32> to vector<16xf32>
      %scan3A_326 = arith.constant 1 : i32
      %scan3A_327 = arith.constant 31 : i32
      %scan3A_328 = arith.addi %scan3A_326, %scan3A_327 : i32
      %scan3A_329 = arith.constant 1 : i32
      %scan3A_330:8 = scf.for %scan3A_659 = %scan3A_326 to %scan3A_328 step %scan3A_329 iter_args(%scan3A_660 = %get3A_290, %scan3A_661 = %get3A_295, %scan3A_662 = %get3A_300, %scan3A_663 = %get3A_305, %scan3A_664 = %get3A_310, %scan3A_665 = %get3A_315, %scan3A_666 = %get3A_320, %scan3A_667 = %get3A_325) -> (vector<16xf32>, vector<16xf32>, vector<16xf32>, vector<16xf32>, vector<16xf32>, vector<16xf32>, vector<16xf32>, vector<16xf32>)  : i32 {
        %add3A_668 = arith.constant 0 : i32
        %add3A_669 = arith.addi %add3A_668, %scan3A_659 : i32
        %get3A_670 = arith.index_cast %add3A_669 : i32 to index
        %get3A_671 = arith.constant 0 : index
        %get3A_672 = tpu.vector_load %arg8[%get3A_670, %get3A_671] {strides = array<i32>} : memref<64x128xf32, #tpu.memory_space<vmem>>, vector<1x16xf32>,
        %get3A_673 = vector.shape_cast %get3A_672 : vector<1x16xf32> to vector<16xf32>
        %add3A_674 = arith.addf %scan3A_660, %get3A_673 : vector<16xf32>
        %add3A_675 = arith.constant 0 : i32
        %add3A_676 = arith.addi %add3A_675, %scan3A_659 : i32
        %get3A_677 = arith.index_cast %add3A_676 : i32 to index
        %get3A_678 = arith.constant 16 : index
        %get3A_679 = tpu.vector_load %arg8[%get3A_677, %get3A_678] {strides = array<i32>} : memref<64x128xf32, #tpu.memory_space<vmem>>, vector<1x16xf32>,
        %get3A_680 = vector.shape_cast %get3A_679 : vector<1x16xf32> to vector<16xf32>
        %add3A_681 = arith.addf %scan3A_661, %get3A_680 : vector<16xf32>
        %add3A_682 = arith.constant 0 : i32
        %add3A_683 = arith.addi %add3A_682, %scan3A_659 : i32
        %get3A_684 = arith.index_cast %add3A_683 : i32 to index
        %get3A_685 = arith.constant 32 : index
        %get3A_686 = tpu.vector_load %arg8[%get3A_684, %get3A_685] {strides = array<i32>} : memref<64x128xf32, #tpu.memory_space<vmem>>, vector<1x16xf32>,
        %get3A_687 = vector.shape_cast %get3A_686 : vector<1x16xf32> to vector<16xf32>
        %add3A_688 = arith.addf %scan3A_662, %get3A_687 : vector<16xf32>
        %add3A_689 = arith.constant 0 : i32
        %add3A_690 = arith.addi %add3A_689, %scan3A_659 : i32
        %get3A_691 = arith.index_cast %add3A_690 : i32 to index
        %get3A_692 = arith.constant 48 : index
        %get3A_693 = tpu.vector_load %arg8[%get3A_691, %get3A_692] {strides = array<i32>} : memref<64x128xf32, #tpu.memory_space<vmem>>, vector<1x16xf32>,
        %get3A_694 = vector.shape_cast %get3A_693 : vector<1x16xf32> to vector<16xf32>
        %add3A_695 = arith.addf %scan3A_663, %get3A_694 : vector<16xf32>
        %add3A_696 = arith.constant 0 : i32
        %add3A_697 = arith.addi %add3A_696, %scan3A_659 : i32
        %get3A_698 = arith.index_cast %add3A_697 : i32 to index
        %get3A_699 = arith.constant 64 : index
        %get3A_700 = tpu.vector_load %arg8[%get3A_698, %get3A_699] {strides = array<i32>} : memref<64x128xf32, #tpu.memory_space<vmem>>, vector<1x16xf32>,
        %get3A_701 = vector.shape_cast %get3A_700 : vector<1x16xf32> to vector<16xf32>
        %add3A_702 = arith.addf %scan3A_664, %get3A_701 : vector<16xf32>
        %add3A_703 = arith.constant 0 : i32
        %add3A_704 = arith.addi %add3A_703, %scan3A_659 : i32
        %get3A_705 = arith.index_cast %add3A_704 : i32 to index
        %get3A_706 = arith.constant 80 : index
        %get3A_707 = tpu.vector_load %arg8[%get3A_705, %get3A_706] {strides = array<i32>} : memref<64x128xf32, #tpu.memory_space<vmem>>, vector<1x16xf32>,
        %get3A_708 = vector.shape_cast %get3A_707 : vector<1x16xf32> to vector<16xf32>
        %add3A_709 = arith.addf %scan3A_665, %get3A_708 : vector<16xf32>
        %add3A_710 = arith.constant 0 : i32
        %add3A_711 = arith.addi %add3A_710, %scan3A_659 : i32
        %get3A_712 = arith.index_cast %add3A_711 : i32 to index
        %get3A_713 = arith.constant 96 : index
        %get3A_714 = tpu.vector_load %arg8[%get3A_712, %get3A_713] {strides = array<i32>} : memref<64x128xf32, #tpu.memory_space<vmem>>, vector<1x16xf32>,
        %get3A_715 = vector.shape_cast %get3A_714 : vector<1x16xf32> to vector<16xf32>
        %add3A_716 = arith.addf %scan3A_666, %get3A_715 : vector<16xf32>
        %add3A_717 = arith.constant 0 : i32
        %add3A_718 = arith.addi %add3A_717, %scan3A_659 : i32
        %get3A_719 = arith.index_cast %add3A_718 : i32 to index
        %get3A_720 = arith.constant 112 : index
        %get3A_721 = tpu.vector_load %arg8[%get3A_719, %get3A_720] {strides = array<i32>} : memref<64x128xf32, #tpu.memory_space<vmem>>, vector<1x16xf32>,
        %get3A_722 = vector.shape_cast %get3A_721 : vector<1x16xf32> to vector<16xf32>
        %add3A_723 = arith.addf %scan3A_667, %get3A_722 : vector<16xf32>
        scf.yield %add3A_674, %add3A_681, %add3A_688, %add3A_695, %add3A_702, %add3A_709, %add3A_716, %add3A_723 : vector<16xf32>, vector<16xf32>, vector<16xf32>, vector<16xf32>, vector<16xf32>, vector<16xf32>, vector<16xf32>, vector<16xf32>
      }
      %scan3A_331 = arith.constant 31 : i32
      %swap3A_332 = arith.constant 0 : index
      %swap3A_333 = tpu.vector_load %arg11[%swap3A_332] {strides = array<i32>} : memref<256xf32, #tpu.memory_space<vmem>>, vector<16xf32>,
      %swap3A_334 = vector.shape_cast %swap3A_333 : vector<16xf32> to vector<16xf32>
      %swap3A_335 = vector.shape_cast %scan3A_330#0 : vector<16xf32> to vector<16xf32>
      tpu.vector_store %arg11[%swap3A_332], %swap3A_335 {strides = array<i32>} : memref<256xf32, #tpu.memory_space<vmem>>, vector<16xf32>,
      %swap3A_336 = arith.constant 16 : index
      %swap3A_337 = tpu.vector_load %arg11[%swap3A_336] {strides = array<i32>} : memref<256xf32, #tpu.memory_space<vmem>>, vector<16xf32>,
      %swap3A_338 = vector.shape_cast %swap3A_337 : vector<16xf32> to vector<16xf32>
      %swap3A_339 = vector.shape_cast %scan3A_330#1 : vector<16xf32> to vector<16xf32>
      tpu.vector_store %arg11[%swap3A_336], %swap3A_339 {strides = array<i32>} : memref<256xf32, #tpu.memory_space<vmem>>, vector<16xf32>,
      %swap3A_340 = arith.constant 32 : index
      %swap3A_341 = tpu.vector_load %arg11[%swap3A_340] {strides = array<i32>} : memref<256xf32, #tpu.memory_space<vmem>>, vector<16xf32>,
      %swap3A_342 = vector.shape_cast %swap3A_341 : vector<16xf32> to vector<16xf32>
      %swap3A_343 = vector.shape_cast %scan3A_330#2 : vector<16xf32> to vector<16xf32>
      tpu.vector_store %arg11[%swap3A_340], %swap3A_343 {strides = array<i32>} : memref<256xf32, #tpu.memory_space<vmem>>, vector<16xf32>,
      %swap3A_344 = arith.constant 48 : index
      %swap3A_345 = tpu.vector_load %arg11[%swap3A_344] {strides = array<i32>} : memref<256xf32, #tpu.memory_space<vmem>>, vector<16xf32>,
      %swap3A_346 = vector.shape_cast %swap3A_345 : vector<16xf32> to vector<16xf32>
      %swap3A_347 = vector.shape_cast %scan3A_330#3 : vector<16xf32> to vector<16xf32>
      tpu.vector_store %arg11[%swap3A_344], %swap3A_347 {strides = array<i32>} : memref<256xf32, #tpu.memory_space<vmem>>, vector<16xf32>,
      %swap3A_348 = arith.constant 64 : index
      %swap3A_349 = tpu.vector_load %arg11[%swap3A_348] {strides = array<i32>} : memref<256xf32, #tpu.memory_space<vmem>>, vector<16xf32>,
      %swap3A_350 = vector.shape_cast %swap3A_349 : vector<16xf32> to vector<16xf32>
      %swap3A_351 = vector.shape_cast %scan3A_330#4 : vector<16xf32> to vector<16xf32>
      tpu.vector_store %arg11[%swap3A_348], %swap3A_351 {strides = array<i32>} : memref<256xf32, #tpu.memory_space<vmem>>, vector<16xf32>,
      %swap3A_352 = arith.constant 80 : index
      %swap3A_353 = tpu.vector_load %arg11[%swap3A_352] {strides = array<i32>} : memref<256xf32, #tpu.memory_space<vmem>>, vector<16xf32>,
      %swap3A_354 = vector.shape_cast %swap3A_353 : vector<16xf32> to vector<16xf32>
      %swap3A_355 = vector.shape_cast %scan3A_330#5 : vector<16xf32> to vector<16xf32>
      tpu.vector_store %arg11[%swap3A_352], %swap3A_355 {strides = array<i32>} : memref<256xf32, #tpu.memory_space<vmem>>, vector<16xf32>,
      %swap3A_356 = arith.constant 96 : index
      %swap3A_357 = tpu.vector_load %arg11[%swap3A_356] {strides = array<i32>} : memref<256xf32, #tpu.memory_space<vmem>>, vector<16xf32>,
      %swap3A_358 = vector.shape_cast %swap3A_357 : vector<16xf32> to vector<16xf32>
      %swap3A_359 = vector.shape_cast %scan3A_330#6 : vector<16xf32> to vector<16xf32>
      tpu.vector_store %arg11[%swap3A_356], %swap3A_359 {strides = array<i32>} : memref<256xf32, #tpu.memory_space<vmem>>, vector<16xf32>,
      %swap3A_360 = arith.constant 112 : index
      %swap3A_361 = tpu.vector_load %arg11[%swap3A_360] {strides = array<i32>} : memref<256xf32, #tpu.memory_space<vmem>>, vector<16xf32>,
      %swap3A_362 = vector.shape_cast %swap3A_361 : vector<16xf32> to vector<16xf32>
      %swap3A_363 = vector.shape_cast %scan3A_330#7 : vector<16xf32> to vector<16xf32>
      tpu.vector_store %arg11[%swap3A_360], %swap3A_363 {strides = array<i32>} : memref<256xf32, #tpu.memory_space<vmem>>, vector<16xf32>,
      %get3A_364 = arith.constant 32 : i32
      %get3A_365 = arith.index_cast %get3A_364 : i32 to index
      %get3A_366 = arith.constant 0 : index
      %get3A_367 = tpu.vector_load %arg8[%get3A_365, %get3A_366] {strides = array<i32>} : memref<64x128xf32, #tpu.memory_space<vmem>>, vector<1x16xf32>,
      %get3A_368 = vector.shape_cast %get3A_367 : vector<1x16xf32> to vector<16xf32>
      %get3A_369 = arith.constant 32 : i32
      %get3A_370 = arith.index_cast %get3A_369 : i32 to index
      %get3A_371 = arith.constant 16 : index
      %get3A_372 = tpu.vector_load %arg8[%get3A_370, %get3A_371] {strides = array<i32>} : memref<64x128xf32, #tpu.memory_space<vmem>>, vector<1x16xf32>,
      %get3A_373 = vector.shape_cast %get3A_372 : vector<1x16xf32> to vector<16xf32>
      %get3A_374 = arith.constant 32 : i32
      %get3A_375 = arith.index_cast %get3A_374 : i32 to index
      %get3A_376 = arith.constant 32 : index
      %get3A_377 = tpu.vector_load %arg8[%get3A_375, %get3A_376] {strides = array<i32>} : memref<64x128xf32, #tpu.memory_space<vmem>>, vector<1x16xf32>,
      %get3A_378 = vector.shape_cast %get3A_377 : vector<1x16xf32> to vector<16xf32>
      %get3A_379 = arith.constant 32 : i32
      %get3A_380 = arith.index_cast %get3A_379 : i32 to index
      %get3A_381 = arith.constant 48 : index
      %get3A_382 = tpu.vector_load %arg8[%get3A_380, %get3A_381] {strides = array<i32>} : memref<64x128xf32, #tpu.memory_space<vmem>>, vector<1x16xf32>,
      %get3A_383 = vector.shape_cast %get3A_382 : vector<1x16xf32> to vector<16xf32>
      %get3A_384 = arith.constant 32 : i32
      %get3A_385 = arith.index_cast %get3A_384 : i32 to index
      %get3A_386 = arith.constant 64 : index
      %get3A_387 = tpu.vector_load %arg8[%get3A_385, %get3A_386] {strides = array<i32>} : memref<64x128xf32, #tpu.memory_space<vmem>>, vector<1x16xf32>,
      %get3A_388 = vector.shape_cast %get3A_387 : vector<1x16xf32> to vector<16xf32>
      %get3A_389 = arith.constant 32 : i32
      %get3A_390 = arith.index_cast %get3A_389 : i32 to index
      %get3A_391 = arith.constant 80 : index
      %get3A_392 = tpu.vector_load %arg8[%get3A_390, %get3A_391] {strides = array<i32>} : memref<64x128xf32, #tpu.memory_space<vmem>>, vector<1x16xf32>,
      %get3A_393 = vector.shape_cast %get3A_392 : vector<1x16xf32> to vector<16xf32>
      %get3A_394 = arith.constant 32 : i32
      %get3A_395 = arith.index_cast %get3A_394 : i32 to index
      %get3A_396 = arith.constant 96 : index
      %get3A_397 = tpu.vector_load %arg8[%get3A_395, %get3A_396] {strides = array<i32>} : memref<64x128xf32, #tpu.memory_space<vmem>>, vector<1x16xf32>,
      %get3A_398 = vector.shape_cast %get3A_397 : vector<1x16xf32> to vector<16xf32>
      %get3A_399 = arith.constant 32 : i32
      %get3A_400 = arith.index_cast %get3A_399 : i32 to index
      %get3A_401 = arith.constant 112 : index
      %get3A_402 = tpu.vector_load %arg8[%get3A_400, %get3A_401] {strides = array<i32>} : memref<64x128xf32, #tpu.memory_space<vmem>>, vector<1x16xf32>,
      %get3A_403 = vector.shape_cast %get3A_402 : vector<1x16xf32> to vector<16xf32>
      %scan3A_404 = arith.constant 1 : i32
      %scan3A_405 = arith.constant 31 : i32
      %scan3A_406 = arith.addi %scan3A_404, %scan3A_405 : i32
      %scan3A_407 = arith.constant 1 : i32
      %scan3A_408:8 = scf.for %scan3A_659 = %scan3A_404 to %scan3A_406 step %scan3A_407 iter_args(%scan3A_660 = %get3A_368, %scan3A_661 = %get3A_373, %scan3A_662 = %get3A_378, %scan3A_663 = %get3A_383, %scan3A_664 = %get3A_388, %scan3A_665 = %get3A_393, %scan3A_666 = %get3A_398, %scan3A_667 = %get3A_403) -> (vector<16xf32>, vector<16xf32>, vector<16xf32>, vector<16xf32>, vector<16xf32>, vector<16xf32>, vector<16xf32>, vector<16xf32>)  : i32 {
        %add3A_668 = arith.constant 32 : i32
        %add3A_669 = arith.addi %add3A_668, %scan3A_659 : i32
        %get3A_670 = arith.index_cast %add3A_669 : i32 to index
        %get3A_671 = arith.constant 0 : index
        %get3A_672 = tpu.vector_load %arg8[%get3A_670, %get3A_671] {strides = array<i32>} : memref<64x128xf32, #tpu.memory_space<vmem>>, vector<1x16xf32>,
        %get3A_673 = vector.shape_cast %get3A_672 : vector<1x16xf32> to vector<16xf32>
        %add3A_674 = arith.addf %scan3A_660, %get3A_673 : vector<16xf32>
        %add3A_675 = arith.constant 32 : i32
        %add3A_676 = arith.addi %add3A_675, %scan3A_659 : i32
        %get3A_677 = arith.index_cast %add3A_676 : i32 to index
        %get3A_678 = arith.constant 16 : index
        %get3A_679 = tpu.vector_load %arg8[%get3A_677, %get3A_678] {strides = array<i32>} : memref<64x128xf32, #tpu.memory_space<vmem>>, vector<1x16xf32>,
        %get3A_680 = vector.shape_cast %get3A_679 : vector<1x16xf32> to vector<16xf32>
        %add3A_681 = arith.addf %scan3A_661, %get3A_680 : vector<16xf32>
        %add3A_682 = arith.constant 32 : i32
        %add3A_683 = arith.addi %add3A_682, %scan3A_659 : i32
        %get3A_684 = arith.index_cast %add3A_683 : i32 to index
        %get3A_685 = arith.constant 32 : index
        %get3A_686 = tpu.vector_load %arg8[%get3A_684, %get3A_685] {strides = array<i32>} : memref<64x128xf32, #tpu.memory_space<vmem>>, vector<1x16xf32>,
        %get3A_687 = vector.shape_cast %get3A_686 : vector<1x16xf32> to vector<16xf32>
        %add3A_688 = arith.addf %scan3A_662, %get3A_687 : vector<16xf32>
        %add3A_689 = arith.constant 32 : i32
        %add3A_690 = arith.addi %add3A_689, %scan3A_659 : i32
        %get3A_691 = arith.index_cast %add3A_690 : i32 to index
        %get3A_692 = arith.constant 48 : index
        %get3A_693 = tpu.vector_load %arg8[%get3A_691, %get3A_692] {strides = array<i32>} : memref<64x128xf32, #tpu.memory_space<vmem>>, vector<1x16xf32>,
        %get3A_694 = vector.shape_cast %get3A_693 : vector<1x16xf32> to vector<16xf32>
        %add3A_695 = arith.addf %scan3A_663, %get3A_694 : vector<16xf32>
        %add3A_696 = arith.constant 32 : i32
        %add3A_697 = arith.addi %add3A_696, %scan3A_659 : i32
        %get3A_698 = arith.index_cast %add3A_697 : i32 to index
        %get3A_699 = arith.constant 64 : index
        %get3A_700 = tpu.vector_load %arg8[%get3A_698, %get3A_699] {strides = array<i32>} : memref<64x128xf32, #tpu.memory_space<vmem>>, vector<1x16xf32>,
        %get3A_701 = vector.shape_cast %get3A_700 : vector<1x16xf32> to vector<16xf32>
        %add3A_702 = arith.addf %scan3A_664, %get3A_701 : vector<16xf32>
        %add3A_703 = arith.constant 32 : i32
        %add3A_704 = arith.addi %add3A_703, %scan3A_659 : i32
        %get3A_705 = arith.index_cast %add3A_704 : i32 to index
        %get3A_706 = arith.constant 80 : index
        %get3A_707 = tpu.vector_load %arg8[%get3A_705, %get3A_706] {strides = array<i32>} : memref<64x128xf32, #tpu.memory_space<vmem>>, vector<1x16xf32>,
        %get3A_708 = vector.shape_cast %get3A_707 : vector<1x16xf32> to vector<16xf32>
        %add3A_709 = arith.addf %scan3A_665, %get3A_708 : vector<16xf32>
        %add3A_710 = arith.constant 32 : i32
        %add3A_711 = arith.addi %add3A_710, %scan3A_659 : i32
        %get3A_712 = arith.index_cast %add3A_711 : i32 to index
        %get3A_713 = arith.constant 96 : index
        %get3A_714 = tpu.vector_load %arg8[%get3A_712, %get3A_713] {strides = array<i32>} : memref<64x128xf32, #tpu.memory_space<vmem>>, vector<1x16xf32>,
        %get3A_715 = vector.shape_cast %get3A_714 : vector<1x16xf32> to vector<16xf32>
        %add3A_716 = arith.addf %scan3A_666, %get3A_715 : vector<16xf32>
        %add3A_717 = arith.constant 32 : i32
        %add3A_718 = arith.addi %add3A_717, %scan3A_659 : i32
        %get3A_719 = arith.index_cast %add3A_718 : i32 to index
        %get3A_720 = arith.constant 112 : index
        %get3A_721 = tpu.vector_load %arg8[%get3A_719, %get3A_720] {strides = array<i32>} : memref<64x128xf32, #tpu.memory_space<vmem>>, vector<1x16xf32>,
        %get3A_722 = vector.shape_cast %get3A_721 : vector<1x16xf32> to vector<16xf32>
        %add3A_723 = arith.addf %scan3A_667, %get3A_722 : vector<16xf32>
        scf.yield %add3A_674, %add3A_681, %add3A_688, %add3A_695, %add3A_702, %add3A_709, %add3A_716, %add3A_723 : vector<16xf32>, vector<16xf32>, vector<16xf32>, vector<16xf32>, vector<16xf32>, vector<16xf32>, vector<16xf32>, vector<16xf32>
      }
      %scan3A_409 = arith.constant 31 : i32
      %swap3A_410 = arith.constant 128 : index
      %swap3A_411 = tpu.vector_load %arg11[%swap3A_410] {strides = array<i32>} : memref<256xf32, #tpu.memory_space<vmem>>, vector<16xf32>,
      %swap3A_412 = vector.shape_cast %swap3A_411 : vector<16xf32> to vector<16xf32>
      %swap3A_413 = vector.shape_cast %scan3A_408#0 : vector<16xf32> to vector<16xf32>
      tpu.vector_store %arg11[%swap3A_410], %swap3A_413 {strides = array<i32>} : memref<256xf32, #tpu.memory_space<vmem>>, vector<16xf32>,
      %swap3A_414 = arith.constant 144 : index
      %swap3A_415 = tpu.vector_load %arg11[%swap3A_414] {strides = array<i32>} : memref<256xf32, #tpu.memory_space<vmem>>, vector<16xf32>,
      %swap3A_416 = vector.shape_cast %swap3A_415 : vector<16xf32> to vector<16xf32>
      %swap3A_417 = vector.shape_cast %scan3A_408#1 : vector<16xf32> to vector<16xf32>
      tpu.vector_store %arg11[%swap3A_414], %swap3A_417 {strides = array<i32>} : memref<256xf32, #tpu.memory_space<vmem>>, vector<16xf32>,
      %swap3A_418 = arith.constant 160 : index
      %swap3A_419 = tpu.vector_load %arg11[%swap3A_418] {strides = array<i32>} : memref<256xf32, #tpu.memory_space<vmem>>, vector<16xf32>,
      %swap3A_420 = vector.shape_cast %swap3A_419 : vector<16xf32> to vector<16xf32>
      %swap3A_421 = vector.shape_cast %scan3A_408#2 : vector<16xf32> to vector<16xf32>
      tpu.vector_store %arg11[%swap3A_418], %swap3A_421 {strides = array<i32>} : memref<256xf32, #tpu.memory_space<vmem>>, vector<16xf32>,
      %swap3A_422 = arith.constant 176 : index
      %swap3A_423 = tpu.vector_load %arg11[%swap3A_422] {strides = array<i32>} : memref<256xf32, #tpu.memory_space<vmem>>, vector<16xf32>,
      %swap3A_424 = vector.shape_cast %swap3A_423 : vector<16xf32> to vector<16xf32>
      %swap3A_425 = vector.shape_cast %scan3A_408#3 : vector<16xf32> to vector<16xf32>
      tpu.vector_store %arg11[%swap3A_422], %swap3A_425 {strides = array<i32>} : memref<256xf32, #tpu.memory_space<vmem>>, vector<16xf32>,
      %swap3A_426 = arith.constant 192 : index
      %swap3A_427 = tpu.vector_load %arg11[%swap3A_426] {strides = array<i32>} : memref<256xf32, #tpu.memory_space<vmem>>, vector<16xf32>,
      %swap3A_428 = vector.shape_cast %swap3A_427 : vector<16xf32> to vector<16xf32>
      %swap3A_429 = vector.shape_cast %scan3A_408#4 : vector<16xf32> to vector<16xf32>
      tpu.vector_store %arg11[%swap3A_426], %swap3A_429 {strides = array<i32>} : memref<256xf32, #tpu.memory_space<vmem>>, vector<16xf32>,
      %swap3A_430 = arith.constant 208 : index
      %swap3A_431 = tpu.vector_load %arg11[%swap3A_430] {strides = array<i32>} : memref<256xf32, #tpu.memory_space<vmem>>, vector<16xf32>,
      %swap3A_432 = vector.shape_cast %swap3A_431 : vector<16xf32> to vector<16xf32>
      %swap3A_433 = vector.shape_cast %scan3A_408#5 : vector<16xf32> to vector<16xf32>
      tpu.vector_store %arg11[%swap3A_430], %swap3A_433 {strides = array<i32>} : memref<256xf32, #tpu.memory_space<vmem>>, vector<16xf32>,
      %swap3A_434 = arith.constant 224 : index
      %swap3A_435 = tpu.vector_load %arg11[%swap3A_434] {strides = array<i32>} : memref<256xf32, #tpu.memory_space<vmem>>, vector<16xf32>,
      %swap3A_436 = vector.shape_cast %swap3A_435 : vector<16xf32> to vector<16xf32>
      %swap3A_437 = vector.shape_cast %scan3A_408#6 : vector<16xf32> to vector<16xf32>
      tpu.vector_store %arg11[%swap3A_434], %swap3A_437 {strides = array<i32>} : memref<256xf32, #tpu.memory_space<vmem>>, vector<16xf32>,
      %swap3A_438 = arith.constant 240 : index
      %swap3A_439 = tpu.vector_load %arg11[%swap3A_438] {strides = array<i32>} : memref<256xf32, #tpu.memory_space<vmem>>, vector<16xf32>,
      %swap3A_440 = vector.shape_cast %swap3A_439 : vector<16xf32> to vector<16xf32>
      %swap3A_441 = vector.shape_cast %scan3A_408#7 : vector<16xf32> to vector<16xf32>
      tpu.vector_store %arg11[%swap3A_438], %swap3A_441 {strides = array<i32>} : memref<256xf32, #tpu.memory_space<vmem>>, vector<16xf32>,
      %mul3A_442 = arith.constant 318 : i32
      %mul3A_443 = arith.muli %add3A, %mul3A_442 : i32
      %mul3A_444 = arith.constant 2 : i32
      %mul3A_445 = arith.muli %mul3A_444, %add3A_262 : i32
      %add3A_446 = arith.addi %mul3A_443, %mul3A_445 : i32
      %add3A_447 = arith.constant 2 : i32
      %add3A_448 = arith.addi %add3A_446, %add3A_447 : i32
      %le3A_449 = arith.constant 10000 : i32
      %le3A_450 = arith.cmpi sle, %add3A_448, %le3A_449 : i32
      %convert_element_type3A_451 = arith.extui %le3A_450 : i1 to i32
      %cond3A_452 = arith.constant 0 : i32
      %cond3A_453 = arith.cmpi ne, %convert_element_type3A_451, %cond3A_452 : i32
      scf.if %cond3A_453 {
        %mul3A_659 = arith.constant 318 : i32
        %mul3A_660 = arith.muli %add3A, %mul3A_659 : i32
        %mul3A_661 = arith.constant 2 : i32
        %mul3A_662 = arith.muli %mul3A_661, %add3A_262 : i32
        %add3A_663 = arith.addi %mul3A_660, %mul3A_662 : i32
        %mul3A_664 = arith.constant 128 : i32
        %mul3A_665 = arith.muli %add3A_663, %mul3A_664 : i32
        %dma_start3A_666 = tpu.memref_slice %arg4[%mul3A_665] : memref<1280000xf32, #tpu.memory_space<hbm>> -> memref<256xf32, #tpu.memory_space<hbm>>
        %dma_start3A_667 = tpu.memref_slice %arg4[%mul3A_665] : memref<1280000xf32, #tpu.memory_space<hbm>> -> memref<256xf32, #tpu.memory_space<hbm>>
        tpu.enqueue_dma source(%arg11 : memref<256xf32, #tpu.memory_space<vmem>>) target(%dma_start3A_667 : memref<256xf32, #tpu.memory_space<hbm>>) target_semaphore(%arg17 : memref<!tpu.dma_semaphore, #tpu.memory_space<semaphore_mem>>)
      } else {
      }
      %lt3A_454 = arith.constant 52 : i32
      %lt3A_455 = arith.cmpi slt, %scan3A_64, %lt3A_454 : i32
      %convert_element_type3A_456 = arith.extui %lt3A_455 : i1 to i32
      %cond3A_457 = arith.constant 0 : i32
      %cond3A_458 = arith.cmpi ne, %convert_element_type3A_456, %cond3A_457 : i32
      scf.if %cond3A_458 {
        %add3A_659 = arith.constant 3 : i32
        %add3A_660 = arith.addi %add3A_262, %add3A_659 : i32
        %dma_start3A_661 = arith.constant 0 : i32
        %dma_start3A_662 = tpu.memref_slice %arg6[%add3A_660, %dma_start3A_661] : memref<159x64xi32, #tpu.memory_space<vmem>> -> memref<1x64xi32, #tpu.memory_space<vmem>>
        %dma_start3A_663 = tpu.memref_squeeze %dma_start3A_662 : memref<1x64xi32, #tpu.memory_space<vmem>> -> memref<64xi32, #tpu.memory_space<vmem>>
        %dma_start3A_664 = arith.constant 0 : i32
        %dma_start3A_665 = arith.constant 0 : i32
        %dma_start3A_666 = tpu.memref_slice %arg5[%dma_start3A_664, %dma_start3A_665] : memref<10000x128xf32, #tpu.memory_space<vmem_shared>> -> memref<10000x128xf32, #tpu.memory_space<vmem_shared>>
        tpu.enqueue_indirect_dma source(%dma_start3A_666 : memref<10000x128xf32, #tpu.memory_space<vmem_shared>>) target(%arg8 : memref<64x128xf32, #tpu.memory_space<vmem>>) offsets(%dma_start3A_663 : memref<64xi32, #tpu.memory_space<vmem>>) semaphore(%arg14 : memref<!tpu.dma_semaphore, #tpu.memory_space<semaphore_mem>>)
      } else {
      }
      %mul3A_459 = arith.constant 3 : i32
      %mul3A_460 = arith.muli %scan3A_64, %mul3A_459 : i32
      %add3A_461 = arith.constant 2 : i32
      %add3A_462 = arith.addi %mul3A_460, %add3A_461 : i32
      %dma_wait3A_463 = arith.constant 0 : i32
      %dma_wait3A_464 = tpu.memref_slice %arg6[%add3A_462, %dma_wait3A_463] : memref<159x64xi32, #tpu.memory_space<vmem>> -> memref<1x64xi32, #tpu.memory_space<vmem>>
      %dma_wait3A_465 = tpu.memref_squeeze %dma_wait3A_464 : memref<1x64xi32, #tpu.memory_space<vmem>> -> memref<64xi32, #tpu.memory_space<vmem>>
      %dma_wait3A_466 = arith.constant 0 : i32
      %dma_wait3A_467 = arith.constant 0 : i32
      %dma_wait3A_468 = tpu.memref_slice %arg5[%dma_wait3A_466, %dma_wait3A_467] : memref<10000x128xf32, #tpu.memory_space<vmem_shared>> -> memref<10000x128xf32, #tpu.memory_space<vmem_shared>>
      tpu.wait_indirect_dma semaphore(%arg15 : memref<!tpu.dma_semaphore, #tpu.memory_space<semaphore_mem>>) src(%dma_wait3A_468 : memref<10000x128xf32, #tpu.memory_space<vmem_shared>>) dst(%arg9 : memref<64x128xf32, #tpu.memory_space<vmem>>)
      %gt3A_469 = arith.constant 0 : i32
      %gt3A_470 = arith.cmpi sgt, %scan3A_64, %gt3A_469 : i32
      %sub3A_471 = arith.constant 3 : i32
      %sub3A_472 = arith.subi %add3A_462, %sub3A_471 : i32
      %mul3A_473 = arith.constant 318 : i32
      %mul3A_474 = arith.muli %add3A, %mul3A_473 : i32
      %mul3A_475 = arith.constant 2 : i32
      %mul3A_476 = arith.muli %mul3A_475, %sub3A_472 : i32
      %add3A_477 = arith.addi %mul3A_474, %mul3A_476 : i32
      %add3A_478 = arith.constant 2 : i32
      %add3A_479 = arith.addi %add3A_477, %add3A_478 : i32
      %le3A_480 = arith.constant 10000 : i32
      %le3A_481 = arith.cmpi sle, %add3A_479, %le3A_480 : i32
      %and3A_482 = arith.andi %gt3A_470, %le3A_481 : i1
      %convert_element_type3A_483 = arith.extui %and3A_482 : i1 to i32
      %cond3A_484 = arith.constant 0 : i32
      %cond3A_485 = arith.cmpi ne, %convert_element_type3A_483, %cond3A_484 : i32
      scf.if %cond3A_485 {
        %mul3A_659 = arith.constant 318 : i32
        %mul3A_660 = arith.muli %add3A, %mul3A_659 : i32
        %mul3A_661 = arith.constant 2 : i32
        %mul3A_662 = arith.muli %mul3A_661, %add3A_462 : i32
        %add3A_663 = arith.addi %mul3A_660, %mul3A_662 : i32
        %mul3A_664 = arith.constant 128 : i32
        %mul3A_665 = arith.muli %add3A_663, %mul3A_664 : i32
        %dma_wait3A_666 = tpu.memref_slice %arg4[%mul3A_665] : memref<1280000xf32, #tpu.memory_space<hbm>> -> memref<256xf32, #tpu.memory_space<hbm>>
        %dma_wait3A_667 = tpu.memref_slice %arg4[%mul3A_665] : memref<1280000xf32, #tpu.memory_space<hbm>> -> memref<256xf32, #tpu.memory_space<hbm>>
        tpu.wait_dma2 semaphore(%arg18 : memref<!tpu.dma_semaphore, #tpu.memory_space<semaphore_mem>>) src(%arg12 : memref<256xf32, #tpu.memory_space<vmem>>) dst(%dma_wait3A_667 : memref<256xf32, #tpu.memory_space<hbm>>)
      } else {
      }
      %get3A_486 = arith.constant 0 : i32
      %get3A_487 = arith.index_cast %get3A_486 : i32 to index
      %get3A_488 = arith.constant 0 : index
      %get3A_489 = tpu.vector_load %arg9[%get3A_487, %get3A_488] {strides = array<i32>} : memref<64x128xf32, #tpu.memory_space<vmem>>, vector<1x16xf32>,
      %get3A_490 = vector.shape_cast %get3A_489 : vector<1x16xf32> to vector<16xf32>
      %get3A_491 = arith.constant 0 : i32
      %get3A_492 = arith.index_cast %get3A_491 : i32 to index
      %get3A_493 = arith.constant 16 : index
      %get3A_494 = tpu.vector_load %arg9[%get3A_492, %get3A_493] {strides = array<i32>} : memref<64x128xf32, #tpu.memory_space<vmem>>, vector<1x16xf32>,
      %get3A_495 = vector.shape_cast %get3A_494 : vector<1x16xf32> to vector<16xf32>
      %get3A_496 = arith.constant 0 : i32
      %get3A_497 = arith.index_cast %get3A_496 : i32 to index
      %get3A_498 = arith.constant 32 : index
      %get3A_499 = tpu.vector_load %arg9[%get3A_497, %get3A_498] {strides = array<i32>} : memref<64x128xf32, #tpu.memory_space<vmem>>, vector<1x16xf32>,
      %get3A_500 = vector.shape_cast %get3A_499 : vector<1x16xf32> to vector<16xf32>
      %get3A_501 = arith.constant 0 : i32
      %get3A_502 = arith.index_cast %get3A_501 : i32 to index
      %get3A_503 = arith.constant 48 : index
      %get3A_504 = tpu.vector_load %arg9[%get3A_502, %get3A_503] {strides = array<i32>} : memref<64x128xf32, #tpu.memory_space<vmem>>, vector<1x16xf32>,
      %get3A_505 = vector.shape_cast %get3A_504 : vector<1x16xf32> to vector<16xf32>
      %get3A_506 = arith.constant 0 : i32
      %get3A_507 = arith.index_cast %get3A_506 : i32 to index
      %get3A_508 = arith.constant 64 : index
      %get3A_509 = tpu.vector_load %arg9[%get3A_507, %get3A_508] {strides = array<i32>} : memref<64x128xf32, #tpu.memory_space<vmem>>, vector<1x16xf32>,
      %get3A_510 = vector.shape_cast %get3A_509 : vector<1x16xf32> to vector<16xf32>
      %get3A_511 = arith.constant 0 : i32
      %get3A_512 = arith.index_cast %get3A_511 : i32 to index
      %get3A_513 = arith.constant 80 : index
      %get3A_514 = tpu.vector_load %arg9[%get3A_512, %get3A_513] {strides = array<i32>} : memref<64x128xf32, #tpu.memory_space<vmem>>, vector<1x16xf32>,
      %get3A_515 = vector.shape_cast %get3A_514 : vector<1x16xf32> to vector<16xf32>
      %get3A_516 = arith.constant 0 : i32
      %get3A_517 = arith.index_cast %get3A_516 : i32 to index
      %get3A_518 = arith.constant 96 : index
      %get3A_519 = tpu.vector_load %arg9[%get3A_517, %get3A_518] {strides = array<i32>} : memref<64x128xf32, #tpu.memory_space<vmem>>, vector<1x16xf32>,
      %get3A_520 = vector.shape_cast %get3A_519 : vector<1x16xf32> to vector<16xf32>
      %get3A_521 = arith.constant 0 : i32
      %get3A_522 = arith.index_cast %get3A_521 : i32 to index
      %get3A_523 = arith.constant 112 : index
      %get3A_524 = tpu.vector_load %arg9[%get3A_522, %get3A_523] {strides = array<i32>} : memref<64x128xf32, #tpu.memory_space<vmem>>, vector<1x16xf32>,
      %get3A_525 = vector.shape_cast %get3A_524 : vector<1x16xf32> to vector<16xf32>
      %scan3A_526 = arith.constant 1 : i32
      %scan3A_527 = arith.constant 31 : i32
      %scan3A_528 = arith.addi %scan3A_526, %scan3A_527 : i32
      %scan3A_529 = arith.constant 1 : i32
      %scan3A_530:8 = scf.for %scan3A_659 = %scan3A_526 to %scan3A_528 step %scan3A_529 iter_args(%scan3A_660 = %get3A_490, %scan3A_661 = %get3A_495, %scan3A_662 = %get3A_500, %scan3A_663 = %get3A_505, %scan3A_664 = %get3A_510, %scan3A_665 = %get3A_515, %scan3A_666 = %get3A_520, %scan3A_667 = %get3A_525) -> (vector<16xf32>, vector<16xf32>, vector<16xf32>, vector<16xf32>, vector<16xf32>, vector<16xf32>, vector<16xf32>, vector<16xf32>)  : i32 {
        %add3A_668 = arith.constant 0 : i32
        %add3A_669 = arith.addi %add3A_668, %scan3A_659 : i32
        %get3A_670 = arith.index_cast %add3A_669 : i32 to index
        %get3A_671 = arith.constant 0 : index
        %get3A_672 = tpu.vector_load %arg9[%get3A_670, %get3A_671] {strides = array<i32>} : memref<64x128xf32, #tpu.memory_space<vmem>>, vector<1x16xf32>,
        %get3A_673 = vector.shape_cast %get3A_672 : vector<1x16xf32> to vector<16xf32>
        %add3A_674 = arith.addf %scan3A_660, %get3A_673 : vector<16xf32>
        %add3A_675 = arith.constant 0 : i32
        %add3A_676 = arith.addi %add3A_675, %scan3A_659 : i32
        %get3A_677 = arith.index_cast %add3A_676 : i32 to index
        %get3A_678 = arith.constant 16 : index
        %get3A_679 = tpu.vector_load %arg9[%get3A_677, %get3A_678] {strides = array<i32>} : memref<64x128xf32, #tpu.memory_space<vmem>>, vector<1x16xf32>,
        %get3A_680 = vector.shape_cast %get3A_679 : vector<1x16xf32> to vector<16xf32>
        %add3A_681 = arith.addf %scan3A_661, %get3A_680 : vector<16xf32>
        %add3A_682 = arith.constant 0 : i32
        %add3A_683 = arith.addi %add3A_682, %scan3A_659 : i32
        %get3A_684 = arith.index_cast %add3A_683 : i32 to index
        %get3A_685 = arith.constant 32 : index
        %get3A_686 = tpu.vector_load %arg9[%get3A_684, %get3A_685] {strides = array<i32>} : memref<64x128xf32, #tpu.memory_space<vmem>>, vector<1x16xf32>,
        %get3A_687 = vector.shape_cast %get3A_686 : vector<1x16xf32> to vector<16xf32>
        %add3A_688 = arith.addf %scan3A_662, %get3A_687 : vector<16xf32>
        %add3A_689 = arith.constant 0 : i32
        %add3A_690 = arith.addi %add3A_689, %scan3A_659 : i32
        %get3A_691 = arith.index_cast %add3A_690 : i32 to index
        %get3A_692 = arith.constant 48 : index
        %get3A_693 = tpu.vector_load %arg9[%get3A_691, %get3A_692] {strides = array<i32>} : memref<64x128xf32, #tpu.memory_space<vmem>>, vector<1x16xf32>,
        %get3A_694 = vector.shape_cast %get3A_693 : vector<1x16xf32> to vector<16xf32>
        %add3A_695 = arith.addf %scan3A_663, %get3A_694 : vector<16xf32>
        %add3A_696 = arith.constant 0 : i32
        %add3A_697 = arith.addi %add3A_696, %scan3A_659 : i32
        %get3A_698 = arith.index_cast %add3A_697 : i32 to index
        %get3A_699 = arith.constant 64 : index
        %get3A_700 = tpu.vector_load %arg9[%get3A_698, %get3A_699] {strides = array<i32>} : memref<64x128xf32, #tpu.memory_space<vmem>>, vector<1x16xf32>,
        %get3A_701 = vector.shape_cast %get3A_700 : vector<1x16xf32> to vector<16xf32>
        %add3A_702 = arith.addf %scan3A_664, %get3A_701 : vector<16xf32>
        %add3A_703 = arith.constant 0 : i32
        %add3A_704 = arith.addi %add3A_703, %scan3A_659 : i32
        %get3A_705 = arith.index_cast %add3A_704 : i32 to index
        %get3A_706 = arith.constant 80 : index
        %get3A_707 = tpu.vector_load %arg9[%get3A_705, %get3A_706] {strides = array<i32>} : memref<64x128xf32, #tpu.memory_space<vmem>>, vector<1x16xf32>,
        %get3A_708 = vector.shape_cast %get3A_707 : vector<1x16xf32> to vector<16xf32>
        %add3A_709 = arith.addf %scan3A_665, %get3A_708 : vector<16xf32>
        %add3A_710 = arith.constant 0 : i32
        %add3A_711 = arith.addi %add3A_710, %scan3A_659 : i32
        %get3A_712 = arith.index_cast %add3A_711 : i32 to index
        %get3A_713 = arith.constant 96 : index
        %get3A_714 = tpu.vector_load %arg9[%get3A_712, %get3A_713] {strides = array<i32>} : memref<64x128xf32, #tpu.memory_space<vmem>>, vector<1x16xf32>,
        %get3A_715 = vector.shape_cast %get3A_714 : vector<1x16xf32> to vector<16xf32>
        %add3A_716 = arith.addf %scan3A_666, %get3A_715 : vector<16xf32>
        %add3A_717 = arith.constant 0 : i32
        %add3A_718 = arith.addi %add3A_717, %scan3A_659 : i32
        %get3A_719 = arith.index_cast %add3A_718 : i32 to index
        %get3A_720 = arith.constant 112 : index
        %get3A_721 = tpu.vector_load %arg9[%get3A_719, %get3A_720] {strides = array<i32>} : memref<64x128xf32, #tpu.memory_space<vmem>>, vector<1x16xf32>,
        %get3A_722 = vector.shape_cast %get3A_721 : vector<1x16xf32> to vector<16xf32>
        %add3A_723 = arith.addf %scan3A_667, %get3A_722 : vector<16xf32>
        scf.yield %add3A_674, %add3A_681, %add3A_688, %add3A_695, %add3A_702, %add3A_709, %add3A_716, %add3A_723 : vector<16xf32>, vector<16xf32>, vector<16xf32>, vector<16xf32>, vector<16xf32>, vector<16xf32>, vector<16xf32>, vector<16xf32>
      }
      %scan3A_531 = arith.constant 31 : i32
      %swap3A_532 = arith.constant 0 : index
      %swap3A_533 = tpu.vector_load %arg12[%swap3A_532] {strides = array<i32>} : memref<256xf32, #tpu.memory_space<vmem>>, vector<16xf32>,
      %swap3A_534 = vector.shape_cast %swap3A_533 : vector<16xf32> to vector<16xf32>
      %swap3A_535 = vector.shape_cast %scan3A_530#0 : vector<16xf32> to vector<16xf32>
      tpu.vector_store %arg12[%swap3A_532], %swap3A_535 {strides = array<i32>} : memref<256xf32, #tpu.memory_space<vmem>>, vector<16xf32>,
      %swap3A_536 = arith.constant 16 : index
      %swap3A_537 = tpu.vector_load %arg12[%swap3A_536] {strides = array<i32>} : memref<256xf32, #tpu.memory_space<vmem>>, vector<16xf32>,
      %swap3A_538 = vector.shape_cast %swap3A_537 : vector<16xf32> to vector<16xf32>
      %swap3A_539 = vector.shape_cast %scan3A_530#1 : vector<16xf32> to vector<16xf32>
      tpu.vector_store %arg12[%swap3A_536], %swap3A_539 {strides = array<i32>} : memref<256xf32, #tpu.memory_space<vmem>>, vector<16xf32>,
      %swap3A_540 = arith.constant 32 : index
      %swap3A_541 = tpu.vector_load %arg12[%swap3A_540] {strides = array<i32>} : memref<256xf32, #tpu.memory_space<vmem>>, vector<16xf32>,
      %swap3A_542 = vector.shape_cast %swap3A_541 : vector<16xf32> to vector<16xf32>
      %swap3A_543 = vector.shape_cast %scan3A_530#2 : vector<16xf32> to vector<16xf32>
      tpu.vector_store %arg12[%swap3A_540], %swap3A_543 {strides = array<i32>} : memref<256xf32, #tpu.memory_space<vmem>>, vector<16xf32>,
      %swap3A_544 = arith.constant 48 : index
      %swap3A_545 = tpu.vector_load %arg12[%swap3A_544] {strides = array<i32>} : memref<256xf32, #tpu.memory_space<vmem>>, vector<16xf32>,
      %swap3A_546 = vector.shape_cast %swap3A_545 : vector<16xf32> to vector<16xf32>
      %swap3A_547 = vector.shape_cast %scan3A_530#3 : vector<16xf32> to vector<16xf32>
      tpu.vector_store %arg12[%swap3A_544], %swap3A_547 {strides = array<i32>} : memref<256xf32, #tpu.memory_space<vmem>>, vector<16xf32>,
      %swap3A_548 = arith.constant 64 : index
      %swap3A_549 = tpu.vector_load %arg12[%swap3A_548] {strides = array<i32>} : memref<256xf32, #tpu.memory_space<vmem>>, vector<16xf32>,
      %swap3A_550 = vector.shape_cast %swap3A_549 : vector<16xf32> to vector<16xf32>
      %swap3A_551 = vector.shape_cast %scan3A_530#4 : vector<16xf32> to vector<16xf32>
      tpu.vector_store %arg12[%swap3A_548], %swap3A_551 {strides = array<i32>} : memref<256xf32, #tpu.memory_space<vmem>>, vector<16xf32>,
      %swap3A_552 = arith.constant 80 : index
      %swap3A_553 = tpu.vector_load %arg12[%swap3A_552] {strides = array<i32>} : memref<256xf32, #tpu.memory_space<vmem>>, vector<16xf32>,
      %swap3A_554 = vector.shape_cast %swap3A_553 : vector<16xf32> to vector<16xf32>
      %swap3A_555 = vector.shape_cast %scan3A_530#5 : vector<16xf32> to vector<16xf32>
      tpu.vector_store %arg12[%swap3A_552], %swap3A_555 {strides = array<i32>} : memref<256xf32, #tpu.memory_space<vmem>>, vector<16xf32>,
      %swap3A_556 = arith.constant 96 : index
      %swap3A_557 = tpu.vector_load %arg12[%swap3A_556] {strides = array<i32>} : memref<256xf32, #tpu.memory_space<vmem>>, vector<16xf32>,
      %swap3A_558 = vector.shape_cast %swap3A_557 : vector<16xf32> to vector<16xf32>
      %swap3A_559 = vector.shape_cast %scan3A_530#6 : vector<16xf32> to vector<16xf32>
      tpu.vector_store %arg12[%swap3A_556], %swap3A_559 {strides = array<i32>} : memref<256xf32, #tpu.memory_space<vmem>>, vector<16xf32>,
      %swap3A_560 = arith.constant 112 : index
      %swap3A_561 = tpu.vector_load %arg12[%swap3A_560] {strides = array<i32>} : memref<256xf32, #tpu.memory_space<vmem>>, vector<16xf32>,
      %swap3A_562 = vector.shape_cast %swap3A_561 : vector<16xf32> to vector<16xf32>
      %swap3A_563 = vector.shape_cast %scan3A_530#7 : vector<16xf32> to vector<16xf32>
      tpu.vector_store %arg12[%swap3A_560], %swap3A_563 {strides = array<i32>} : memref<256xf32, #tpu.memory_space<vmem>>, vector<16xf32>,
      %get3A_564 = arith.constant 32 : i32
      %get3A_565 = arith.index_cast %get3A_564 : i32 to index
      %get3A_566 = arith.constant 0 : index
      %get3A_567 = tpu.vector_load %arg9[%get3A_565, %get3A_566] {strides = array<i32>} : memref<64x128xf32, #tpu.memory_space<vmem>>, vector<1x16xf32>,
      %get3A_568 = vector.shape_cast %get3A_567 : vector<1x16xf32> to vector<16xf32>
      %get3A_569 = arith.constant 32 : i32
      %get3A_570 = arith.index_cast %get3A_569 : i32 to index
      %get3A_571 = arith.constant 16 : index
      %get3A_572 = tpu.vector_load %arg9[%get3A_570, %get3A_571] {strides = array<i32>} : memref<64x128xf32, #tpu.memory_space<vmem>>, vector<1x16xf32>,
      %get3A_573 = vector.shape_cast %get3A_572 : vector<1x16xf32> to vector<16xf32>
      %get3A_574 = arith.constant 32 : i32
      %get3A_575 = arith.index_cast %get3A_574 : i32 to index
      %get3A_576 = arith.constant 32 : index
      %get3A_577 = tpu.vector_load %arg9[%get3A_575, %get3A_576] {strides = array<i32>} : memref<64x128xf32, #tpu.memory_space<vmem>>, vector<1x16xf32>,
      %get3A_578 = vector.shape_cast %get3A_577 : vector<1x16xf32> to vector<16xf32>
      %get3A_579 = arith.constant 32 : i32
      %get3A_580 = arith.index_cast %get3A_579 : i32 to index
      %get3A_581 = arith.constant 48 : index
      %get3A_582 = tpu.vector_load %arg9[%get3A_580, %get3A_581] {strides = array<i32>} : memref<64x128xf32, #tpu.memory_space<vmem>>, vector<1x16xf32>,
      %get3A_583 = vector.shape_cast %get3A_582 : vector<1x16xf32> to vector<16xf32>
      %get3A_584 = arith.constant 32 : i32
      %get3A_585 = arith.index_cast %get3A_584 : i32 to index
      %get3A_586 = arith.constant 64 : index
      %get3A_587 = tpu.vector_load %arg9[%get3A_585, %get3A_586] {strides = array<i32>} : memref<64x128xf32, #tpu.memory_space<vmem>>, vector<1x16xf32>,
      %get3A_588 = vector.shape_cast %get3A_587 : vector<1x16xf32> to vector<16xf32>
      %get3A_589 = arith.constant 32 : i32
      %get3A_590 = arith.index_cast %get3A_589 : i32 to index
      %get3A_591 = arith.constant 80 : index
      %get3A_592 = tpu.vector_load %arg9[%get3A_590, %get3A_591] {strides = array<i32>} : memref<64x128xf32, #tpu.memory_space<vmem>>, vector<1x16xf32>,
      %get3A_593 = vector.shape_cast %get3A_592 : vector<1x16xf32> to vector<16xf32>
      %get3A_594 = arith.constant 32 : i32
      %get3A_595 = arith.index_cast %get3A_594 : i32 to index
      %get3A_596 = arith.constant 96 : index
      %get3A_597 = tpu.vector_load %arg9[%get3A_595, %get3A_596] {strides = array<i32>} : memref<64x128xf32, #tpu.memory_space<vmem>>, vector<1x16xf32>,
      %get3A_598 = vector.shape_cast %get3A_597 : vector<1x16xf32> to vector<16xf32>
      %get3A_599 = arith.constant 32 : i32
      %get3A_600 = arith.index_cast %get3A_599 : i32 to index
      %get3A_601 = arith.constant 112 : index
      %get3A_602 = tpu.vector_load %arg9[%get3A_600, %get3A_601] {strides = array<i32>} : memref<64x128xf32, #tpu.memory_space<vmem>>, vector<1x16xf32>,
      %get3A_603 = vector.shape_cast %get3A_602 : vector<1x16xf32> to vector<16xf32>
      %scan3A_604 = arith.constant 1 : i32
      %scan3A_605 = arith.constant 31 : i32
      %scan3A_606 = arith.addi %scan3A_604, %scan3A_605 : i32
      %scan3A_607 = arith.constant 1 : i32
      %scan3A_608:8 = scf.for %scan3A_659 = %scan3A_604 to %scan3A_606 step %scan3A_607 iter_args(%scan3A_660 = %get3A_568, %scan3A_661 = %get3A_573, %scan3A_662 = %get3A_578, %scan3A_663 = %get3A_583, %scan3A_664 = %get3A_588, %scan3A_665 = %get3A_593, %scan3A_666 = %get3A_598, %scan3A_667 = %get3A_603) -> (vector<16xf32>, vector<16xf32>, vector<16xf32>, vector<16xf32>, vector<16xf32>, vector<16xf32>, vector<16xf32>, vector<16xf32>)  : i32 {
        %add3A_668 = arith.constant 32 : i32
        %add3A_669 = arith.addi %add3A_668, %scan3A_659 : i32
        %get3A_670 = arith.index_cast %add3A_669 : i32 to index
        %get3A_671 = arith.constant 0 : index
        %get3A_672 = tpu.vector_load %arg9[%get3A_670, %get3A_671] {strides = array<i32>} : memref<64x128xf32, #tpu.memory_space<vmem>>, vector<1x16xf32>,
        %get3A_673 = vector.shape_cast %get3A_672 : vector<1x16xf32> to vector<16xf32>
        %add3A_674 = arith.addf %scan3A_660, %get3A_673 : vector<16xf32>
        %add3A_675 = arith.constant 32 : i32
        %add3A_676 = arith.addi %add3A_675, %scan3A_659 : i32
        %get3A_677 = arith.index_cast %add3A_676 : i32 to index
        %get3A_678 = arith.constant 16 : index
        %get3A_679 = tpu.vector_load %arg9[%get3A_677, %get3A_678] {strides = array<i32>} : memref<64x128xf32, #tpu.memory_space<vmem>>, vector<1x16xf32>,
        %get3A_680 = vector.shape_cast %get3A_679 : vector<1x16xf32> to vector<16xf32>
        %add3A_681 = arith.addf %scan3A_661, %get3A_680 : vector<16xf32>
        %add3A_682 = arith.constant 32 : i32
        %add3A_683 = arith.addi %add3A_682, %scan3A_659 : i32
        %get3A_684 = arith.index_cast %add3A_683 : i32 to index
        %get3A_685 = arith.constant 32 : index
        %get3A_686 = tpu.vector_load %arg9[%get3A_684, %get3A_685] {strides = array<i32>} : memref<64x128xf32, #tpu.memory_space<vmem>>, vector<1x16xf32>,
        %get3A_687 = vector.shape_cast %get3A_686 : vector<1x16xf32> to vector<16xf32>
        %add3A_688 = arith.addf %scan3A_662, %get3A_687 : vector<16xf32>
        %add3A_689 = arith.constant 32 : i32
        %add3A_690 = arith.addi %add3A_689, %scan3A_659 : i32
        %get3A_691 = arith.index_cast %add3A_690 : i32 to index
        %get3A_692 = arith.constant 48 : index
        %get3A_693 = tpu.vector_load %arg9[%get3A_691, %get3A_692] {strides = array<i32>} : memref<64x128xf32, #tpu.memory_space<vmem>>, vector<1x16xf32>,
        %get3A_694 = vector.shape_cast %get3A_693 : vector<1x16xf32> to vector<16xf32>
        %add3A_695 = arith.addf %scan3A_663, %get3A_694 : vector<16xf32>
        %add3A_696 = arith.constant 32 : i32
        %add3A_697 = arith.addi %add3A_696, %scan3A_659 : i32
        %get3A_698 = arith.index_cast %add3A_697 : i32 to index
        %get3A_699 = arith.constant 64 : index
        %get3A_700 = tpu.vector_load %arg9[%get3A_698, %get3A_699] {strides = array<i32>} : memref<64x128xf32, #tpu.memory_space<vmem>>, vector<1x16xf32>,
        %get3A_701 = vector.shape_cast %get3A_700 : vector<1x16xf32> to vector<16xf32>
        %add3A_702 = arith.addf %scan3A_664, %get3A_701 : vector<16xf32>
        %add3A_703 = arith.constant 32 : i32
        %add3A_704 = arith.addi %add3A_703, %scan3A_659 : i32
        %get3A_705 = arith.index_cast %add3A_704 : i32 to index
        %get3A_706 = arith.constant 80 : index
        %get3A_707 = tpu.vector_load %arg9[%get3A_705, %get3A_706] {strides = array<i32>} : memref<64x128xf32, #tpu.memory_space<vmem>>, vector<1x16xf32>,
        %get3A_708 = vector.shape_cast %get3A_707 : vector<1x16xf32> to vector<16xf32>
        %add3A_709 = arith.addf %scan3A_665, %get3A_708 : vector<16xf32>
        %add3A_710 = arith.constant 32 : i32
        %add3A_711 = arith.addi %add3A_710, %scan3A_659 : i32
        %get3A_712 = arith.index_cast %add3A_711 : i32 to index
        %get3A_713 = arith.constant 96 : index
        %get3A_714 = tpu.vector_load %arg9[%get3A_712, %get3A_713] {strides = array<i32>} : memref<64x128xf32, #tpu.memory_space<vmem>>, vector<1x16xf32>,
        %get3A_715 = vector.shape_cast %get3A_714 : vector<1x16xf32> to vector<16xf32>
        %add3A_716 = arith.addf %scan3A_666, %get3A_715 : vector<16xf32>
        %add3A_717 = arith.constant 32 : i32
        %add3A_718 = arith.addi %add3A_717, %scan3A_659 : i32
        %get3A_719 = arith.index_cast %add3A_718 : i32 to index
        %get3A_720 = arith.constant 112 : index
        %get3A_721 = tpu.vector_load %arg9[%get3A_719, %get3A_720] {strides = array<i32>} : memref<64x128xf32, #tpu.memory_space<vmem>>, vector<1x16xf32>,
        %get3A_722 = vector.shape_cast %get3A_721 : vector<1x16xf32> to vector<16xf32>
        %add3A_723 = arith.addf %scan3A_667, %get3A_722 : vector<16xf32>
        scf.yield %add3A_674, %add3A_681, %add3A_688, %add3A_695, %add3A_702, %add3A_709, %add3A_716, %add3A_723 : vector<16xf32>, vector<16xf32>, vector<16xf32>, vector<16xf32>, vector<16xf32>, vector<16xf32>, vector<16xf32>, vector<16xf32>
      }
      %scan3A_609 = arith.constant 31 : i32
      %swap3A_610 = arith.constant 128 : index
      %swap3A_611 = tpu.vector_load %arg12[%swap3A_610] {strides = array<i32>} : memref<256xf32, #tpu.memory_space<vmem>>, vector<16xf32>,
      %swap3A_612 = vector.shape_cast %swap3A_611 : vector<16xf32> to vector<16xf32>
      %swap3A_613 = vector.shape_cast %scan3A_608#0 : vector<16xf32> to vector<16xf32>
      tpu.vector_store %arg12[%swap3A_610], %swap3A_613 {strides = array<i32>} : memref<256xf32, #tpu.memory_space<vmem>>, vector<16xf32>,
      %swap3A_614 = arith.constant 144 : index
      %swap3A_615 = tpu.vector_load %arg12[%swap3A_614] {strides = array<i32>} : memref<256xf32, #tpu.memory_space<vmem>>, vector<16xf32>,
      %swap3A_616 = vector.shape_cast %swap3A_615 : vector<16xf32> to vector<16xf32>
      %swap3A_617 = vector.shape_cast %scan3A_608#1 : vector<16xf32> to vector<16xf32>
      tpu.vector_store %arg12[%swap3A_614], %swap3A_617 {strides = array<i32>} : memref<256xf32, #tpu.memory_space<vmem>>, vector<16xf32>,
      %swap3A_618 = arith.constant 160 : index
      %swap3A_619 = tpu.vector_load %arg12[%swap3A_618] {strides = array<i32>} : memref<256xf32, #tpu.memory_space<vmem>>, vector<16xf32>,
      %swap3A_620 = vector.shape_cast %swap3A_619 : vector<16xf32> to vector<16xf32>
      %swap3A_621 = vector.shape_cast %scan3A_608#2 : vector<16xf32> to vector<16xf32>
      tpu.vector_store %arg12[%swap3A_618], %swap3A_621 {strides = array<i32>} : memref<256xf32, #tpu.memory_space<vmem>>, vector<16xf32>,
      %swap3A_622 = arith.constant 176 : index
      %swap3A_623 = tpu.vector_load %arg12[%swap3A_622] {strides = array<i32>} : memref<256xf32, #tpu.memory_space<vmem>>, vector<16xf32>,
      %swap3A_624 = vector.shape_cast %swap3A_623 : vector<16xf32> to vector<16xf32>
      %swap3A_625 = vector.shape_cast %scan3A_608#3 : vector<16xf32> to vector<16xf32>
      tpu.vector_store %arg12[%swap3A_622], %swap3A_625 {strides = array<i32>} : memref<256xf32, #tpu.memory_space<vmem>>, vector<16xf32>,
      %swap3A_626 = arith.constant 192 : index
      %swap3A_627 = tpu.vector_load %arg12[%swap3A_626] {strides = array<i32>} : memref<256xf32, #tpu.memory_space<vmem>>, vector<16xf32>,
      %swap3A_628 = vector.shape_cast %swap3A_627 : vector<16xf32> to vector<16xf32>
      %swap3A_629 = vector.shape_cast %scan3A_608#4 : vector<16xf32> to vector<16xf32>
      tpu.vector_store %arg12[%swap3A_626], %swap3A_629 {strides = array<i32>} : memref<256xf32, #tpu.memory_space<vmem>>, vector<16xf32>,
      %swap3A_630 = arith.constant 208 : index
      %swap3A_631 = tpu.vector_load %arg12[%swap3A_630] {strides = array<i32>} : memref<256xf32, #tpu.memory_space<vmem>>, vector<16xf32>,
      %swap3A_632 = vector.shape_cast %swap3A_631 : vector<16xf32> to vector<16xf32>
      %swap3A_633 = vector.shape_cast %scan3A_608#5 : vector<16xf32> to vector<16xf32>
      tpu.vector_store %arg12[%swap3A_630], %swap3A_633 {strides = array<i32>} : memref<256xf32, #tpu.memory_space<vmem>>, vector<16xf32>,
      %swap3A_634 = arith.constant 224 : index
      %swap3A_635 = tpu.vector_load %arg12[%swap3A_634] {strides = array<i32>} : memref<256xf32, #tpu.memory_space<vmem>>, vector<16xf32>,
      %swap3A_636 = vector.shape_cast %swap3A_635 : vector<16xf32> to vector<16xf32>
      %swap3A_637 = vector.shape_cast %scan3A_608#6 : vector<16xf32> to vector<16xf32>
      tpu.vector_store %arg12[%swap3A_634], %swap3A_637 {strides = array<i32>} : memref<256xf32, #tpu.memory_space<vmem>>, vector<16xf32>,
      %swap3A_638 = arith.constant 240 : index
      %swap3A_639 = tpu.vector_load %arg12[%swap3A_638] {strides = array<i32>} : memref<256xf32, #tpu.memory_space<vmem>>, vector<16xf32>,
      %swap3A_640 = vector.shape_cast %swap3A_639 : vector<16xf32> to vector<16xf32>
      %swap3A_641 = vector.shape_cast %scan3A_608#7 : vector<16xf32> to vector<16xf32>
      tpu.vector_store %arg12[%swap3A_638], %swap3A_641 {strides = array<i32>} : memref<256xf32, #tpu.memory_space<vmem>>, vector<16xf32>,
      %mul3A_642 = arith.constant 318 : i32
      %mul3A_643 = arith.muli %add3A, %mul3A_642 : i32
      %mul3A_644 = arith.constant 2 : i32
      %mul3A_645 = arith.muli %mul3A_644, %add3A_462 : i32
      %add3A_646 = arith.addi %mul3A_643, %mul3A_645 : i32
      %add3A_647 = arith.constant 2 : i32
      %add3A_648 = arith.addi %add3A_646, %add3A_647 : i32
      %le3A_649 = arith.constant 10000 : i32
      %le3A_650 = arith.cmpi sle, %add3A_648, %le3A_649 : i32
      %convert_element_type3A_651 = arith.extui %le3A_650 : i1 to i32
      %cond3A_652 = arith.constant 0 : i32
      %cond3A_653 = arith.cmpi ne, %convert_element_type3A_651, %cond3A_652 : i32
      scf.if %cond3A_653 {
        %mul3A_659 = arith.constant 318 : i32
        %mul3A_660 = arith.muli %add3A, %mul3A_659 : i32
        %mul3A_661 = arith.constant 2 : i32
        %mul3A_662 = arith.muli %mul3A_661, %add3A_462 : i32
        %add3A_663 = arith.addi %mul3A_660, %mul3A_662 : i32
        %mul3A_664 = arith.constant 128 : i32
        %mul3A_665 = arith.muli %add3A_663, %mul3A_664 : i32
        %dma_start3A_666 = tpu.memref_slice %arg4[%mul3A_665] : memref<1280000xf32, #tpu.memory_space<hbm>> -> memref<256xf32, #tpu.memory_space<hbm>>
        %dma_start3A_667 = tpu.memref_slice %arg4[%mul3A_665] : memref<1280000xf32, #tpu.memory_space<hbm>> -> memref<256xf32, #tpu.memory_space<hbm>>
        tpu.enqueue_dma source(%arg12 : memref<256xf32, #tpu.memory_space<vmem>>) target(%dma_start3A_667 : memref<256xf32, #tpu.memory_space<hbm>>) target_semaphore(%arg18 : memref<!tpu.dma_semaphore, #tpu.memory_space<semaphore_mem>>)
      } else {
      }
      %lt3A_654 = arith.constant 52 : i32
      %lt3A_655 = arith.cmpi slt, %scan3A_64, %lt3A_654 : i32
      %convert_element_type3A_656 = arith.extui %lt3A_655 : i1 to i32
      %cond3A_657 = arith.constant 0 : i32
      %cond3A_658 = arith.cmpi ne, %convert_element_type3A_656, %cond3A_657 : i32
      scf.if %cond3A_658 {
        %add3A_659 = arith.constant 3 : i32
        %add3A_660 = arith.addi %add3A_462, %add3A_659 : i32
        %dma_start3A_661 = arith.constant 0 : i32
        %dma_start3A_662 = tpu.memref_slice %arg6[%add3A_660, %dma_start3A_661] : memref<159x64xi32, #tpu.memory_space<vmem>> -> memref<1x64xi32, #tpu.memory_space<vmem>>
        %dma_start3A_663 = tpu.memref_squeeze %dma_start3A_662 : memref<1x64xi32, #tpu.memory_space<vmem>> -> memref<64xi32, #tpu.memory_space<vmem>>
        %dma_start3A_664 = arith.constant 0 : i32
        %dma_start3A_665 = arith.constant 0 : i32
        %dma_start3A_666 = tpu.memref_slice %arg5[%dma_start3A_664, %dma_start3A_665] : memref<10000x128xf32, #tpu.memory_space<vmem_shared>> -> memref<10000x128xf32, #tpu.memory_space<vmem_shared>>
        tpu.enqueue_indirect_dma source(%dma_start3A_666 : memref<10000x128xf32, #tpu.memory_space<vmem_shared>>) target(%arg9 : memref<64x128xf32, #tpu.memory_space<vmem>>) offsets(%dma_start3A_663 : memref<64xi32, #tpu.memory_space<vmem>>) semaphore(%arg15 : memref<!tpu.dma_semaphore, #tpu.memory_space<semaphore_mem>>)
      } else {
      }
    }
    %scan3A_31 = arith.constant 53 : i32
    %mul3A_32 = arith.constant 318 : i32
    %mul3A_33 = arith.muli %add3A, %mul3A_32 : i32
    %add3A_34 = arith.constant 312 : i32
    %add3A_35 = arith.addi %mul3A_33, %add3A_34 : i32
    %add3A_36 = arith.constant 2 : i32
    %add3A_37 = arith.addi %add3A_35, %add3A_36 : i32
    %le3A = arith.constant 10000 : i32
    %le3A_38 = arith.cmpi sle, %add3A_37, %le3A : i32
    %convert_element_type3A_39 = arith.extui %le3A_38 : i1 to i32
    %cond3A_40 = arith.constant 0 : i32
    %cond3A_41 = arith.cmpi ne, %convert_element_type3A_39, %cond3A_40 : i32
    scf.if %cond3A_41 {
      %mul3A_64 = arith.constant 318 : i32
      %mul3A_65 = arith.muli %add3A, %mul3A_64 : i32
      %add3A_66 = arith.constant 312 : i32
      %add3A_67 = arith.addi %mul3A_65, %add3A_66 : i32
      %mul3A_68 = arith.constant 128 : i32
      %mul3A_69 = arith.muli %add3A_67, %mul3A_68 : i32
      %dma_wait3A = tpu.memref_slice %arg4[%mul3A_69] : memref<1280000xf32, #tpu.memory_space<hbm>> -> memref<256xf32, #tpu.memory_space<hbm>>
      %dma_wait3A_70 = tpu.memref_slice %arg4[%mul3A_69] : memref<1280000xf32, #tpu.memory_space<hbm>> -> memref<256xf32, #tpu.memory_space<hbm>>
      tpu.wait_dma2 semaphore(%arg16 : memref<!tpu.dma_semaphore, #tpu.memory_space<semaphore_mem>>) src(%arg10 : memref<256xf32, #tpu.memory_space<vmem>>) dst(%dma_wait3A_70 : memref<256xf32, #tpu.memory_space<hbm>>)
    } else {
    }
    %mul3A_42 = arith.constant 318 : i32
    %mul3A_43 = arith.muli %add3A, %mul3A_42 : i32
    %add3A_44 = arith.constant 314 : i32
    %add3A_45 = arith.addi %mul3A_43, %add3A_44 : i32
    %add3A_46 = arith.constant 2 : i32
    %add3A_47 = arith.addi %add3A_45, %add3A_46 : i32
    %le3A_48 = arith.constant 10000 : i32
    %le3A_49 = arith.cmpi sle, %add3A_47, %le3A_48 : i32
    %convert_element_type3A_50 = arith.extui %le3A_49 : i1 to i32
    %cond3A_51 = arith.constant 0 : i32
    %cond3A_52 = arith.cmpi ne, %convert_element_type3A_50, %cond3A_51 : i32
    scf.if %cond3A_52 {
      %mul3A_64 = arith.constant 318 : i32
      %mul3A_65 = arith.muli %add3A, %mul3A_64 : i32
      %add3A_66 = arith.constant 314 : i32
      %add3A_67 = arith.addi %mul3A_65, %add3A_66 : i32
      %mul3A_68 = arith.constant 128 : i32
      %mul3A_69 = arith.muli %add3A_67, %mul3A_68 : i32
      %dma_wait3A = tpu.memref_slice %arg4[%mul3A_69] : memref<1280000xf32, #tpu.memory_space<hbm>> -> memref<256xf32, #tpu.memory_space<hbm>>
      %dma_wait3A_70 = tpu.memref_slice %arg4[%mul3A_69] : memref<1280000xf32, #tpu.memory_space<hbm>> -> memref<256xf32, #tpu.memory_space<hbm>>
      tpu.wait_dma2 semaphore(%arg17 : memref<!tpu.dma_semaphore, #tpu.memory_space<semaphore_mem>>) src(%arg11 : memref<256xf32, #tpu.memory_space<vmem>>) dst(%dma_wait3A_70 : memref<256xf32, #tpu.memory_space<hbm>>)
    } else {
    }
    %mul3A_53 = arith.constant 318 : i32
    %mul3A_54 = arith.muli %add3A, %mul3A_53 : i32
    %add3A_55 = arith.constant 316 : i32
    %add3A_56 = arith.addi %mul3A_54, %add3A_55 : i32
    %add3A_57 = arith.constant 2 : i32
    %add3A_58 = arith.addi %add3A_56, %add3A_57 : i32
    %le3A_59 = arith.constant 10000 : i32
    %le3A_60 = arith.cmpi sle, %add3A_58, %le3A_59 : i32
    %convert_element_type3A_61 = arith.extui %le3A_60 : i1 to i32
    %cond3A_62 = arith.constant 0 : i32
    %cond3A_63 = arith.cmpi ne, %convert_element_type3A_61, %cond3A_62 : i32
    scf.if %cond3A_63 {
      %mul3A_64 = arith.constant 318 : i32
      %mul3A_65 = arith.muli %add3A, %mul3A_64 : i32
      %add3A_66 = arith.constant 316 : i32
      %add3A_67 = arith.addi %mul3A_65, %add3A_66 : i32
      %mul3A_68 = arith.constant 128 : i32
      %mul3A_69 = arith.muli %add3A_67, %mul3A_68 : i32
      %dma_wait3A = tpu.memref_slice %arg4[%mul3A_69] : memref<1280000xf32, #tpu.memory_space<hbm>> -> memref<256xf32, #tpu.memory_space<hbm>>
      %dma_wait3A_70 = tpu.memref_slice %arg4[%mul3A_69] : memref<1280000xf32, #tpu.memory_space<hbm>> -> memref<256xf32, #tpu.memory_space<hbm>>
      tpu.wait_dma2 semaphore(%arg18 : memref<!tpu.dma_semaphore, #tpu.memory_space<semaphore_mem>>) src(%arg12 : memref<256xf32, #tpu.memory_space<vmem>>) dst(%dma_wait3A_70 : memref<256xf32, #tpu.memory_space<hbm>>)
    } else {
    }
    return
  }
}

module attributes {stable_mosaic.version = 14 : i64} {
  func.func @_tca_body(%arg0: i32, %arg1: memref<128x128xf32, #tpu.memory_space<vmem>>, %arg2: memref<128x128xf32, #tpu.memory_space<vmem>>, %arg3: memref<128x128xf32, #tpu.memory_space<vmem>>, %arg4: memref<256x128xf32, #tpu.memory_space<vmem>>, %arg5: memref<1000x128xf32, #tpu.memory_space<vmem>>, %arg6: memref<1000x128xf32, #tpu.memory_space<vmem>>, %arg7: memref<1000x128xf32, #tpu.memory_space<vmem>>, %arg8: memref<1000x128xf32, #tpu.memory_space<vmem>>, %arg9: memref<1000x128xf32, #tpu.memory_space<vmem>>) attributes {dimension_semantics = [#tpu.dimension_semantics<arbitrary>], iteration_bounds = array<i64: 10>, scalar_prefetch = 0 : i64, scratch_operands = 0 : i64, tpu.core_type = #tpu.core_type<tc>, window_params = [{pipeline_mode = #tpu.pipeline_mode<synchronous>, transform_indices = @transform_0, window_bounds = array<i64: 128, 128>}, {pipeline_mode = #tpu.pipeline_mode<synchronous>, transform_indices = @transform_1, window_bounds = array<i64: 128, 128>}, {pipeline_mode = #tpu.pipeline_mode<synchronous>, transform_indices = @transform_2, window_bounds = array<i64: 128, 128>}, {pipeline_mode = #tpu.pipeline_mode<synchronous>, transform_indices = @transform_3, window_bounds = array<i64: 256, 128>}, {transform_indices = @transform_4, window_bounds = array<i64: 1000, 128>}, {transform_indices = @transform_5, window_bounds = array<i64: 1000, 128>}, {transform_indices = @transform_6, window_bounds = array<i64: 1000, 128>}, {transform_indices = @transform_7, window_bounds = array<i64: 1000, 128>}, {transform_indices = @transform_8, window_bounds = array<i64: 1000, 128>}]} {
    %get3A = arith.constant 0 : index
    %get3A_0 = arith.constant 0 : index
    %get3A_1 = vector.load %arg1[%get3A, %get3A_0] : memref<128x128xf32, #tpu.memory_space<vmem>>, vector<128x128xf32>
    %reduce_sum3A = arith.constant dense<0.000000e+00> : vector<128xf32>
    %reduce_sum3A_2 = vector.multi_reduction <add>, %get3A_1, %reduce_sum3A [0] : vector<128x128xf32> to vector<128xf32>
    %broadcast_in_dim3A = vector.shape_cast %reduce_sum3A_2 : vector<128xf32> to vector<1x128xf32>
    %get3A_3 = arith.constant 0 : index
    %get3A_4 = arith.constant 0 : index
    %get3A_5 = vector.load %arg2[%get3A_3, %get3A_4] : memref<128x128xf32, #tpu.memory_space<vmem>>, vector<128x128xf32>
    %reduce_sum3A_6 = arith.constant dense<0.000000e+00> : vector<128xf32>
    %reduce_sum3A_7 = vector.multi_reduction <add>, %get3A_5, %reduce_sum3A_6 [0] : vector<128x128xf32> to vector<128xf32>
    %broadcast_in_dim3A_8 = vector.shape_cast %reduce_sum3A_7 : vector<128xf32> to vector<1x128xf32>
    %add3A = arith.addf %broadcast_in_dim3A, %broadcast_in_dim3A_8 : vector<1x128xf32>
    %max3A = arith.constant 0.000000e+00 : f32
    %max3A_9 = vector.broadcast %max3A : f32 to vector<1x128xf32>
    %max3A_10 = arith.maximumf %add3A, %max3A_9 : vector<1x128xf32>
    %mul3A = arith.mulf %max3A_10, %max3A_10 : vector<1x128xf32>
    %reduce_sum3A_11 = vector.shape_cast %mul3A : vector<1x128xf32> to vector<1x1x128xf32>
    %reduce_sum3A_12 = arith.constant dense<0.000000e+00> : vector<1xf32>
    %reduce_sum3A_13 = vector.multi_reduction <add>, %reduce_sum3A_11, %reduce_sum3A_12 [1, 2] : vector<1x1x128xf32> to vector<1xf32>
    %reduce_sum3A_14 = vector.shape_cast %reduce_sum3A_13 : vector<1xf32> to vector<1x1x1xf32>
    %reduce_sum3A_15 = vector.extract %reduce_sum3A_14[0, 0, 0] : f32 from vector<1x1x1xf32>
    %sqrt3A = math.sqrt %reduce_sum3A_15 : f32
    %max3A_16 = arith.constant 9.99999996E-13 : f32
    %max3A_17 = arith.maximumf %sqrt3A, %max3A_16 : f32
    %div3A = vector.broadcast %max3A_17 : f32 to vector<1x128xf32>
    %div3A_18 = arith.divf %max3A_10, %div3A : vector<1x128xf32>
    %broadcast_in_dim3A_19 = vector.shape_cast %div3A_18 : vector<1x128xf32> to vector<1x128xf32>
    %broadcast_in_dim3A_20 = vector.broadcast %broadcast_in_dim3A_19 : vector<1x128xf32> to vector<1000x128xf32>
    %swap3A = arith.constant 0 : index
    %swap3A_21 = arith.constant 0 : index
    %swap3A_22 = vector.load %arg8[%swap3A, %swap3A_21] : memref<1000x128xf32, #tpu.memory_space<vmem>>, vector<1000x128xf32>
    tpu.vector_store %arg8[%swap3A, %swap3A_21], %broadcast_in_dim3A_20 {strides = array<i32>} : memref<1000x128xf32, #tpu.memory_space<vmem>>, vector<1000x128xf32>,
    %eq3A = arith.constant 5 : i32
    %eq3A_23 = arith.cmpi eq, %arg0, %eq3A : i32
    %eq3A_24 = arith.constant 9 : i32
    %eq3A_25 = arith.cmpi eq, %arg0, %eq3A_24 : i32
    %or3A = arith.ori %eq3A_23, %eq3A_25 : i1
    %convert_element_type3A = arith.extui %or3A : i1 to i32
    %cond3A = arith.constant 0 : i32
    %cond3A_26 = arith.cmpi ne, %convert_element_type3A, %cond3A : i32
    scf.if %cond3A_26 {
      %swap3A_37 = arith.constant 0 : index
      %swap3A_38 = arith.constant 0 : index
      %swap3A_39 = vector.load %arg9[%swap3A_37, %swap3A_38] : memref<1000x128xf32, #tpu.memory_space<vmem>>, vector<1000x128xf32>
      tpu.vector_store %arg9[%swap3A_37, %swap3A_38], %broadcast_in_dim3A_20 {strides = array<i32>} : memref<1000x128xf32, #tpu.memory_space<vmem>>, vector<1000x128xf32>,
    } else {
    }
    %le3A = arith.constant 4 : i32
    %le3A_27 = arith.cmpi sle, %arg0, %le3A : i32
    %convert_element_type3A_28 = arith.extui %le3A_27 : i1 to i32
    %cond3A_29 = arith.constant 0 : i32
    %cond3A_30 = arith.cmpi ne, %convert_element_type3A_28, %cond3A_29 : i32
    scf.if %cond3A_30 {
      %get3A_37 = arith.constant 0 : index
      %get3A_38 = arith.constant 0 : index
      %get3A_39 = vector.load %arg5[%get3A_37, %get3A_38] : memref<1000x128xf32, #tpu.memory_space<vmem>>, vector<1000x128xf32>
      %get3A_40 = arith.constant 0 : index
      %get3A_41 = arith.constant 0 : index
      %get3A_42 = vector.load %arg7[%get3A_40, %get3A_41] : memref<1000x128xf32, #tpu.memory_space<vmem>>, vector<1000x128xf32>
      %add3A_43 = arith.addf %get3A_39, %get3A_42 : vector<1000x128xf32>
      %mul3A_44 = arith.constant 5.000000e-01 : f32
      %mul3A_45 = vector.broadcast %mul3A_44 : f32 to vector<1000x128xf32>
      %mul3A_46 = arith.mulf %add3A_43, %mul3A_45 : vector<1000x128xf32>
      %get3A_47 = arith.constant 0 : index
      %get3A_48 = arith.constant 0 : index
      %get3A_49 = vector.load %arg3[%get3A_47, %get3A_48] : memref<128x128xf32, #tpu.memory_space<vmem>>, vector<128x128xf32>
      %dot_general3A = arith.constant dense<0.000000e+00> : vector<1000x128xf32>
      %dot_general3A_50 = tpu.matmul %mul3A_46, %get3A_49, %dot_general3A {dimension_numbers = #tpu.dot_dimension_numbers<[1], [0], [0], [1], [0, 0, 1, 1], [], []>, transpose_lhs_hint = false} : vector<1000x128xf32>, vector<128x128xf32>, vector<1000x128xf32> -> vector<1000x128xf32>
      %get3A_51 = arith.constant 0 : index
      %get3A_52 = arith.constant 0 : index
      %get3A_53 = vector.load %arg4[%get3A_51, %get3A_52] : memref<256x128xf32, #tpu.memory_space<vmem>>, vector<128x128xf32>
      %dot_general3A_54 = arith.constant dense<0.000000e+00> : vector<1000x128xf32>
      %dot_general3A_55 = tpu.matmul %broadcast_in_dim3A_20, %get3A_53, %dot_general3A_54 {dimension_numbers = #tpu.dot_dimension_numbers<[1], [0], [0], [1], [0, 0, 1, 1], [], []>, transpose_lhs_hint = false} : vector<1000x128xf32>, vector<128x128xf32>, vector<1000x128xf32> -> vector<1000x128xf32>
      %get3A_56 = arith.constant 128 : index
      %get3A_57 = arith.constant 0 : index
      %get3A_58 = vector.load %arg4[%get3A_56, %get3A_57] : memref<256x128xf32, #tpu.memory_space<vmem>>, vector<128x128xf32>
      %dot_general3A_59 = arith.constant dense<0.000000e+00> : vector<1000x128xf32>
      %dot_general3A_60 = tpu.matmul %dot_general3A_50, %get3A_58, %dot_general3A_59 {dimension_numbers = #tpu.dot_dimension_numbers<[1], [0], [0], [1], [0, 0, 1, 1], [], []>, transpose_lhs_hint = false} : vector<1000x128xf32>, vector<128x128xf32>, vector<1000x128xf32> -> vector<1000x128xf32>
      %add3A_61 = arith.addf %dot_general3A_55, %dot_general3A_60 : vector<1000x128xf32>
      %ge3A_62 = arith.constant 0.000000e+00 : f32
      %ge3A_63 = vector.broadcast %ge3A_62 : f32 to vector<1000x128xf32>
      %ge3A_64 = arith.cmpf oge, %add3A_61, %ge3A_63 : vector<1000x128xf32>
      %mul3A_65 = arith.constant 2.000000e-01 : f32
      %mul3A_66 = vector.broadcast %mul3A_65 : f32 to vector<1000x128xf32>
      %mul3A_67 = arith.mulf %add3A_61, %mul3A_66 : vector<1000x128xf32>
      %select_n3A = arith.select %ge3A_64, %add3A_61, %mul3A_67 : vector<1000x128xi1>, vector<1000x128xf32>
      %mul3A_68 = arith.mulf %select_n3A, %select_n3A : vector<1000x128xf32>
      %reduce_sum3A_69 = arith.constant dense<0.000000e+00> : vector<1000xf32>
      %reduce_sum3A_70 = vector.multi_reduction <add>, %mul3A_68, %reduce_sum3A_69 [1] : vector<1000x128xf32> to vector<1000xf32>
      %broadcast_in_dim3A_71 = vector.shape_cast %reduce_sum3A_70 : vector<1000xf32> to vector<1000x1xf32>
      %sqrt3A_72 = math.sqrt %broadcast_in_dim3A_71 : vector<1000x1xf32>
      %max3A_73 = arith.constant 9.99999996E-13 : f32
      %max3A_74 = vector.broadcast %max3A_73 : f32 to vector<1000x1xf32>
      %max3A_75 = arith.maximumf %sqrt3A_72, %max3A_74 : vector<1000x1xf32>
      %div3A_76 = vector.broadcast %max3A_75 : vector<1000x1xf32> to vector<1000x128xf32>
      %div3A_77 = arith.divf %select_n3A, %div3A_76 : vector<1000x128xf32>
      %swap3A_78 = arith.constant 0 : index
      %swap3A_79 = arith.constant 0 : index
      %swap3A_80 = vector.load %arg9[%swap3A_78, %swap3A_79] : memref<1000x128xf32, #tpu.memory_space<vmem>>, vector<1000x128xf32>
      tpu.vector_store %arg9[%swap3A_78, %swap3A_79], %div3A_77 {strides = array<i32>} : memref<1000x128xf32, #tpu.memory_space<vmem>>, vector<1000x128xf32>,
    } else {
    }
    %ge3A = arith.constant 6 : i32
    %ge3A_31 = arith.cmpi sge, %arg0, %ge3A : i32
    %le3A_32 = arith.constant 8 : i32
    %le3A_33 = arith.cmpi sle, %arg0, %le3A_32 : i32
    %and3A = arith.andi %ge3A_31, %le3A_33 : i1
    %convert_element_type3A_34 = arith.extui %and3A : i1 to i32
    %cond3A_35 = arith.constant 0 : i32
    %cond3A_36 = arith.cmpi ne, %convert_element_type3A_34, %cond3A_35 : i32
    scf.if %cond3A_36 {
      %get3A_37 = arith.constant 0 : index
      %get3A_38 = arith.constant 0 : index
      %get3A_39 = vector.load %arg6[%get3A_37, %get3A_38] : memref<1000x128xf32, #tpu.memory_space<vmem>>, vector<1000x128xf32>
      %get3A_40 = arith.constant 0 : index
      %get3A_41 = arith.constant 0 : index
      %get3A_42 = vector.load %arg7[%get3A_40, %get3A_41] : memref<1000x128xf32, #tpu.memory_space<vmem>>, vector<1000x128xf32>
      %add3A_43 = arith.addf %get3A_39, %get3A_42 : vector<1000x128xf32>
      %mul3A_44 = arith.constant 5.000000e-01 : f32
      %mul3A_45 = vector.broadcast %mul3A_44 : f32 to vector<1000x128xf32>
      %mul3A_46 = arith.mulf %add3A_43, %mul3A_45 : vector<1000x128xf32>
      %get3A_47 = arith.constant 0 : index
      %get3A_48 = arith.constant 0 : index
      %get3A_49 = vector.load %arg3[%get3A_47, %get3A_48] : memref<128x128xf32, #tpu.memory_space<vmem>>, vector<128x128xf32>
      %dot_general3A = arith.constant dense<0.000000e+00> : vector<1000x128xf32>
      %dot_general3A_50 = tpu.matmul %mul3A_46, %get3A_49, %dot_general3A {dimension_numbers = #tpu.dot_dimension_numbers<[1], [0], [0], [1], [0, 0, 1, 1], [], []>, transpose_lhs_hint = false} : vector<1000x128xf32>, vector<128x128xf32>, vector<1000x128xf32> -> vector<1000x128xf32>
      %get3A_51 = arith.constant 0 : index
      %get3A_52 = arith.constant 0 : index
      %get3A_53 = vector.load %arg4[%get3A_51, %get3A_52] : memref<256x128xf32, #tpu.memory_space<vmem>>, vector<128x128xf32>
      %dot_general3A_54 = arith.constant dense<0.000000e+00> : vector<1000x128xf32>
      %dot_general3A_55 = tpu.matmul %broadcast_in_dim3A_20, %get3A_53, %dot_general3A_54 {dimension_numbers = #tpu.dot_dimension_numbers<[1], [0], [0], [1], [0, 0, 1, 1], [], []>, transpose_lhs_hint = false} : vector<1000x128xf32>, vector<128x128xf32>, vector<1000x128xf32> -> vector<1000x128xf32>
      %get3A_56 = arith.constant 128 : index
      %get3A_57 = arith.constant 0 : index
      %get3A_58 = vector.load %arg4[%get3A_56, %get3A_57] : memref<256x128xf32, #tpu.memory_space<vmem>>, vector<128x128xf32>
      %dot_general3A_59 = arith.constant dense<0.000000e+00> : vector<1000x128xf32>
      %dot_general3A_60 = tpu.matmul %dot_general3A_50, %get3A_58, %dot_general3A_59 {dimension_numbers = #tpu.dot_dimension_numbers<[1], [0], [0], [1], [0, 0, 1, 1], [], []>, transpose_lhs_hint = false} : vector<1000x128xf32>, vector<128x128xf32>, vector<1000x128xf32> -> vector<1000x128xf32>
      %add3A_61 = arith.addf %dot_general3A_55, %dot_general3A_60 : vector<1000x128xf32>
      %ge3A_62 = arith.constant 0.000000e+00 : f32
      %ge3A_63 = vector.broadcast %ge3A_62 : f32 to vector<1000x128xf32>
      %ge3A_64 = arith.cmpf oge, %add3A_61, %ge3A_63 : vector<1000x128xf32>
      %mul3A_65 = arith.constant 2.000000e-01 : f32
      %mul3A_66 = vector.broadcast %mul3A_65 : f32 to vector<1000x128xf32>
      %mul3A_67 = arith.mulf %add3A_61, %mul3A_66 : vector<1000x128xf32>
      %select_n3A = arith.select %ge3A_64, %add3A_61, %mul3A_67 : vector<1000x128xi1>, vector<1000x128xf32>
      %mul3A_68 = arith.mulf %select_n3A, %select_n3A : vector<1000x128xf32>
      %reduce_sum3A_69 = arith.constant dense<0.000000e+00> : vector<1000xf32>
      %reduce_sum3A_70 = vector.multi_reduction <add>, %mul3A_68, %reduce_sum3A_69 [1] : vector<1000x128xf32> to vector<1000xf32>
      %broadcast_in_dim3A_71 = vector.shape_cast %reduce_sum3A_70 : vector<1000xf32> to vector<1000x1xf32>
      %sqrt3A_72 = math.sqrt %broadcast_in_dim3A_71 : vector<1000x1xf32>
      %max3A_73 = arith.constant 9.99999996E-13 : f32
      %max3A_74 = vector.broadcast %max3A_73 : f32 to vector<1000x1xf32>
      %max3A_75 = arith.maximumf %sqrt3A_72, %max3A_74 : vector<1000x1xf32>
      %div3A_76 = vector.broadcast %max3A_75 : vector<1000x1xf32> to vector<1000x128xf32>
      %div3A_77 = arith.divf %select_n3A, %div3A_76 : vector<1000x128xf32>
      %swap3A_78 = arith.constant 0 : index
      %swap3A_79 = arith.constant 0 : index
      %swap3A_80 = vector.load %arg9[%swap3A_78, %swap3A_79] : memref<1000x128xf32, #tpu.memory_space<vmem>>, vector<1000x128xf32>
      tpu.vector_store %arg9[%swap3A_78, %swap3A_79], %div3A_77 {strides = array<i32>} : memref<1000x128xf32, #tpu.memory_space<vmem>>, vector<1000x128xf32>,
    } else {
    }
    return
  }
  func.func @transform_0(%arg0: i32) -> (i32, i32) {
    %c0_i32 = arith.constant 0 : i32
    %c0_i32_0 = arith.constant 0 : i32
    %c0_i32_1 = arith.constant 0 : i32
    return %c0_i32, %c0_i32_0 : i32, i32
  }
  func.func @transform_1(%arg0: i32) -> (i32, i32) {
    %c0_i32 = arith.constant 0 : i32
    %c0_i32_0 = arith.constant 0 : i32
    %c0_i32_1 = arith.constant 0 : i32
    return %c0_i32, %c0_i32_0 : i32, i32
  }
  func.func @transform_2(%arg0: i32) -> (i32, i32) {
    %c0_i32 = arith.constant 0 : i32
    %c0_i32_0 = arith.constant 0 : i32
    %c0_i32_1 = arith.constant 0 : i32
    return %c0_i32, %c0_i32_0 : i32, i32
  }
  func.func @transform_3(%arg0: i32) -> (i32, i32) {
    %c0_i32 = arith.constant 0 : i32
    %c0_i32_0 = arith.constant 0 : i32
    %c0_i32_1 = arith.constant 0 : i32
    return %c0_i32, %c0_i32_0 : i32, i32
  }
  func.func @transform_4(%arg0: i32) -> (i32, i32) {
    %min3A = arith.constant 4 : i32
    %min3A_0 = arith.minsi %arg0, %min3A : i32
    %c0_i32 = arith.constant 0 : i32
    %c0_i32_1 = arith.constant 0 : i32
    return %min3A_0, %c0_i32 : i32, i32
  }
  func.func @transform_5(%arg0: i32) -> (i32, i32) {
    %sub3A = arith.constant 6 : i32
    %sub3A_0 = arith.subi %arg0, %sub3A : i32
    %jit3A = arith.constant 0 : i32
    %jit3A_1 = arith.constant 2 : i32
    %max3A = arith.maxsi %jit3A, %sub3A_0 : i32
    %min3A = arith.minsi %jit3A_1, %max3A : i32
    %c0_i32 = arith.constant 0 : i32
    %c0_i32_2 = arith.constant 0 : i32
    return %min3A, %c0_i32 : i32, i32
  }
  func.func @transform_6(%arg0: i32) -> (i32, i32) {
    %le3A = arith.constant 4 : i32
    %le3A_0 = arith.cmpi sle, %arg0, %le3A : i32
    %sub3A = arith.constant 1 : i32
    %sub3A_1 = arith.subi %arg0, %sub3A : i32
    %jit3A = arith.constant 0 : i32
    %jit3A_2 = arith.constant 9 : i32
    %max3A = arith.maxsi %jit3A, %sub3A_1 : i32
    %min3A = arith.minsi %jit3A_2, %max3A : i32
    %select_n3A = arith.select %le3A_0, %arg0, %min3A : i32
    %c0_i32 = arith.constant 0 : i32
    %c0_i32_3 = arith.constant 0 : i32
    return %select_n3A, %c0_i32 : i32, i32
  }
  func.func @transform_7(%arg0: i32) -> (i32, i32) {
    %c0_i32 = arith.constant 0 : i32
    %c0_i32_0 = arith.constant 0 : i32
    return %arg0, %c0_i32 : i32, i32
  }
  func.func @transform_8(%arg0: i32) -> (i32, i32) {
    %c0_i32 = arith.constant 0 : i32
    %c0_i32_0 = arith.constant 0 : i32
    return %arg0, %c0_i32 : i32, i32
  }
}

module attributes {stable_mosaic.version = 14 : i64} {
  func.func @_tcb_body(%arg0: i32, %arg1: memref<128x128xf32, #tpu.memory_space<vmem>>, %arg2: memref<128x128xf32, #tpu.memory_space<vmem>>, %arg3: memref<128x128xf32, #tpu.memory_space<vmem>>, %arg4: memref<256x128xf32, #tpu.memory_space<vmem>>, %arg5: memref<1000x128xf32, #tpu.memory_space<vmem>>, %arg6: memref<1000x128xf32, #tpu.memory_space<vmem>>, %arg7: memref<1000x128xf32, #tpu.memory_space<vmem>>, %arg8: memref<1000x128xf32, #tpu.memory_space<vmem>>, %arg9: memref<1000x128xf32, #tpu.memory_space<vmem>>, %arg10: memref<1000x128xf32, #tpu.memory_space<vmem>>, %arg11: memref<1000x128xf32, #tpu.memory_space<vmem>>) attributes {dimension_semantics = [#tpu.dimension_semantics<arbitrary>], iteration_bounds = array<i64: 10>, scalar_prefetch = 0 : i64, scratch_operands = 0 : i64, tpu.core_type = #tpu.core_type<tc>, window_params = [{pipeline_mode = #tpu.pipeline_mode<synchronous>, transform_indices = @transform_0, window_bounds = array<i64: 128, 128>}, {pipeline_mode = #tpu.pipeline_mode<synchronous>, transform_indices = @transform_1, window_bounds = array<i64: 128, 128>}, {pipeline_mode = #tpu.pipeline_mode<synchronous>, transform_indices = @transform_2, window_bounds = array<i64: 128, 128>}, {pipeline_mode = #tpu.pipeline_mode<synchronous>, transform_indices = @transform_3, window_bounds = array<i64: 256, 128>}, {transform_indices = @transform_4, window_bounds = array<i64: 1000, 128>}, {transform_indices = @transform_5, window_bounds = array<i64: 1000, 128>}, {transform_indices = @transform_6, window_bounds = array<i64: 1000, 128>}, {transform_indices = @transform_7, window_bounds = array<i64: 1000, 128>}, {transform_indices = @transform_8, window_bounds = array<i64: 1000, 128>}, {transform_indices = @transform_9, window_bounds = array<i64: 1000, 128>}, {transform_indices = @transform_10, window_bounds = array<i64: 1000, 128>}]} {
    %get3A = arith.constant 0 : index
    %get3A_0 = arith.constant 0 : index
    %get3A_1 = vector.load %arg5[%get3A, %get3A_0] : memref<1000x128xf32, #tpu.memory_space<vmem>>, vector<1000x128xf32>
    %get3A_2 = arith.constant 0 : index
    %get3A_3 = arith.constant 0 : index
    %get3A_4 = vector.load %arg1[%get3A_2, %get3A_3] : memref<128x128xf32, #tpu.memory_space<vmem>>, vector<128x128xf32>
    %dot_general3A = arith.constant dense<0.000000e+00> : vector<1000x128xf32>
    %dot_general3A_5 = tpu.matmul %get3A_1, %get3A_4, %dot_general3A {dimension_numbers = #tpu.dot_dimension_numbers<[1], [0], [0], [1], [0, 0, 1, 1], [], []>, transpose_lhs_hint = false} : vector<1000x128xf32>, vector<128x128xf32>, vector<1000x128xf32> -> vector<1000x128xf32>
    %get3A_6 = arith.constant 0 : index
    %get3A_7 = arith.constant 0 : index
    %get3A_8 = vector.load %arg6[%get3A_6, %get3A_7] : memref<1000x128xf32, #tpu.memory_space<vmem>>, vector<1000x128xf32>
    %mul3A = arith.constant 3.125000e-02 : f32
    %mul3A_9 = vector.broadcast %mul3A : f32 to vector<1000x128xf32>
    %mul3A_10 = arith.mulf %get3A_8, %mul3A_9 : vector<1000x128xf32>
    %get3A_11 = arith.constant 0 : index
    %get3A_12 = arith.constant 0 : index
    %get3A_13 = vector.load %arg2[%get3A_11, %get3A_12] : memref<128x128xf32, #tpu.memory_space<vmem>>, vector<128x128xf32>
    %dot_general3A_14 = arith.constant dense<0.000000e+00> : vector<1000x128xf32>
    %dot_general3A_15 = tpu.matmul %mul3A_10, %get3A_13, %dot_general3A_14 {dimension_numbers = #tpu.dot_dimension_numbers<[1], [0], [0], [1], [0, 0, 1, 1], [], []>, transpose_lhs_hint = false} : vector<1000x128xf32>, vector<128x128xf32>, vector<1000x128xf32> -> vector<1000x128xf32>
    %add3A = arith.addf %dot_general3A_5, %dot_general3A_15 : vector<1000x128xf32>
    %max3A = arith.constant 0.000000e+00 : f32
    %max3A_16 = vector.broadcast %max3A : f32 to vector<1000x128xf32>
    %max3A_17 = arith.maximumf %add3A, %max3A_16 : vector<1000x128xf32>
    %mul3A_18 = arith.mulf %max3A_17, %max3A_17 : vector<1000x128xf32>
    %reduce_sum3A = arith.constant dense<0.000000e+00> : vector<1000xf32>
    %reduce_sum3A_19 = vector.multi_reduction <add>, %mul3A_18, %reduce_sum3A [1] : vector<1000x128xf32> to vector<1000xf32>
    %broadcast_in_dim3A = vector.shape_cast %reduce_sum3A_19 : vector<1000xf32> to vector<1000x1xf32>
    %sqrt3A = math.sqrt %broadcast_in_dim3A : vector<1000x1xf32>
    %max3A_20 = arith.constant 9.99999996E-13 : f32
    %max3A_21 = vector.broadcast %max3A_20 : f32 to vector<1000x1xf32>
    %max3A_22 = arith.maximumf %sqrt3A, %max3A_21 : vector<1000x1xf32>
    %div3A = vector.broadcast %max3A_22 : vector<1000x1xf32> to vector<1000x128xf32>
    %div3A_23 = arith.divf %max3A_17, %div3A : vector<1000x128xf32>
    %swap3A = arith.constant 0 : index
    %swap3A_24 = arith.constant 0 : index
    %swap3A_25 = vector.load %arg10[%swap3A, %swap3A_24] : memref<1000x128xf32, #tpu.memory_space<vmem>>, vector<1000x128xf32>
    tpu.vector_store %arg10[%swap3A, %swap3A_24], %div3A_23 {strides = array<i32>} : memref<1000x128xf32, #tpu.memory_space<vmem>>, vector<1000x128xf32>,
    %eq3A = arith.constant 5 : i32
    %eq3A_26 = arith.cmpi eq, %arg0, %eq3A : i32
    %eq3A_27 = arith.constant 9 : i32
    %eq3A_28 = arith.cmpi eq, %arg0, %eq3A_27 : i32
    %or3A = arith.ori %eq3A_26, %eq3A_28 : i1
    %convert_element_type3A = arith.extui %or3A : i1 to i32
    %cond3A = arith.constant 0 : i32
    %cond3A_29 = arith.cmpi ne, %convert_element_type3A, %cond3A : i32
    scf.if %cond3A_29 {
      %swap3A_40 = arith.constant 0 : index
      %swap3A_41 = arith.constant 0 : index
      %swap3A_42 = vector.load %arg11[%swap3A_40, %swap3A_41] : memref<1000x128xf32, #tpu.memory_space<vmem>>, vector<1000x128xf32>
      tpu.vector_store %arg11[%swap3A_40, %swap3A_41], %div3A_23 {strides = array<i32>} : memref<1000x128xf32, #tpu.memory_space<vmem>>, vector<1000x128xf32>,
    } else {
    }
    %le3A = arith.constant 4 : i32
    %le3A_30 = arith.cmpi sle, %arg0, %le3A : i32
    %convert_element_type3A_31 = arith.extui %le3A_30 : i1 to i32
    %cond3A_32 = arith.constant 0 : i32
    %cond3A_33 = arith.cmpi ne, %convert_element_type3A_31, %cond3A_32 : i32
    scf.if %cond3A_33 {
      %get3A_40 = arith.constant 0 : index
      %get3A_41 = arith.constant 0 : index
      %get3A_42 = vector.load %arg7[%get3A_40, %get3A_41] : memref<1000x128xf32, #tpu.memory_space<vmem>>, vector<1000x128xf32>
      %get3A_43 = arith.constant 0 : index
      %get3A_44 = arith.constant 0 : index
      %get3A_45 = vector.load %arg9[%get3A_43, %get3A_44] : memref<1000x128xf32, #tpu.memory_space<vmem>>, vector<1000x128xf32>
      %add3A_46 = arith.addf %get3A_42, %get3A_45 : vector<1000x128xf32>
      %mul3A_47 = arith.constant 5.000000e-01 : f32
      %mul3A_48 = vector.broadcast %mul3A_47 : f32 to vector<1000x128xf32>
      %mul3A_49 = arith.mulf %add3A_46, %mul3A_48 : vector<1000x128xf32>
      %get3A_50 = arith.constant 0 : index
      %get3A_51 = arith.constant 0 : index
      %get3A_52 = vector.load %arg3[%get3A_50, %get3A_51] : memref<128x128xf32, #tpu.memory_space<vmem>>, vector<128x128xf32>
      %dot_general3A_53 = arith.constant dense<0.000000e+00> : vector<1000x128xf32>
      %dot_general3A_54 = tpu.matmul %mul3A_49, %get3A_52, %dot_general3A_53 {dimension_numbers = #tpu.dot_dimension_numbers<[1], [0], [0], [1], [0, 0, 1, 1], [], []>, transpose_lhs_hint = false} : vector<1000x128xf32>, vector<128x128xf32>, vector<1000x128xf32> -> vector<1000x128xf32>
      %get3A_55 = arith.constant 0 : index
      %get3A_56 = arith.constant 0 : index
      %get3A_57 = vector.load %arg4[%get3A_55, %get3A_56] : memref<256x128xf32, #tpu.memory_space<vmem>>, vector<128x128xf32>
      %dot_general3A_58 = arith.constant dense<0.000000e+00> : vector<1000x128xf32>
      %dot_general3A_59 = tpu.matmul %div3A_23, %get3A_57, %dot_general3A_58 {dimension_numbers = #tpu.dot_dimension_numbers<[1], [0], [0], [1], [0, 0, 1, 1], [], []>, transpose_lhs_hint = false} : vector<1000x128xf32>, vector<128x128xf32>, vector<1000x128xf32> -> vector<1000x128xf32>
      %get3A_60 = arith.constant 128 : index
      %get3A_61 = arith.constant 0 : index
      %get3A_62 = vector.load %arg4[%get3A_60, %get3A_61] : memref<256x128xf32, #tpu.memory_space<vmem>>, vector<128x128xf32>
      %dot_general3A_63 = arith.constant dense<0.000000e+00> : vector<1000x128xf32>
      %dot_general3A_64 = tpu.matmul %dot_general3A_54, %get3A_62, %dot_general3A_63 {dimension_numbers = #tpu.dot_dimension_numbers<[1], [0], [0], [1], [0, 0, 1, 1], [], []>, transpose_lhs_hint = false} : vector<1000x128xf32>, vector<128x128xf32>, vector<1000x128xf32> -> vector<1000x128xf32>
      %add3A_65 = arith.addf %dot_general3A_59, %dot_general3A_64 : vector<1000x128xf32>
      %ge3A_66 = arith.constant 0.000000e+00 : f32
      %ge3A_67 = vector.broadcast %ge3A_66 : f32 to vector<1000x128xf32>
      %ge3A_68 = arith.cmpf oge, %add3A_65, %ge3A_67 : vector<1000x128xf32>
      %mul3A_69 = arith.constant 2.000000e-01 : f32
      %mul3A_70 = vector.broadcast %mul3A_69 : f32 to vector<1000x128xf32>
      %mul3A_71 = arith.mulf %add3A_65, %mul3A_70 : vector<1000x128xf32>
      %select_n3A = arith.select %ge3A_68, %add3A_65, %mul3A_71 : vector<1000x128xi1>, vector<1000x128xf32>
      %mul3A_72 = arith.mulf %select_n3A, %select_n3A : vector<1000x128xf32>
      %reduce_sum3A_73 = arith.constant dense<0.000000e+00> : vector<1000xf32>
      %reduce_sum3A_74 = vector.multi_reduction <add>, %mul3A_72, %reduce_sum3A_73 [1] : vector<1000x128xf32> to vector<1000xf32>
      %broadcast_in_dim3A_75 = vector.shape_cast %reduce_sum3A_74 : vector<1000xf32> to vector<1000x1xf32>
      %sqrt3A_76 = math.sqrt %broadcast_in_dim3A_75 : vector<1000x1xf32>
      %max3A_77 = arith.constant 9.99999996E-13 : f32
      %max3A_78 = vector.broadcast %max3A_77 : f32 to vector<1000x1xf32>
      %max3A_79 = arith.maximumf %sqrt3A_76, %max3A_78 : vector<1000x1xf32>
      %div3A_80 = vector.broadcast %max3A_79 : vector<1000x1xf32> to vector<1000x128xf32>
      %div3A_81 = arith.divf %select_n3A, %div3A_80 : vector<1000x128xf32>
      %swap3A_82 = arith.constant 0 : index
      %swap3A_83 = arith.constant 0 : index
      %swap3A_84 = vector.load %arg11[%swap3A_82, %swap3A_83] : memref<1000x128xf32, #tpu.memory_space<vmem>>, vector<1000x128xf32>
      tpu.vector_store %arg11[%swap3A_82, %swap3A_83], %div3A_81 {strides = array<i32>} : memref<1000x128xf32, #tpu.memory_space<vmem>>, vector<1000x128xf32>,
    } else {
    }
    %ge3A = arith.constant 6 : i32
    %ge3A_34 = arith.cmpi sge, %arg0, %ge3A : i32
    %le3A_35 = arith.constant 8 : i32
    %le3A_36 = arith.cmpi sle, %arg0, %le3A_35 : i32
    %and3A = arith.andi %ge3A_34, %le3A_36 : i1
    %convert_element_type3A_37 = arith.extui %and3A : i1 to i32
    %cond3A_38 = arith.constant 0 : i32
    %cond3A_39 = arith.cmpi ne, %convert_element_type3A_37, %cond3A_38 : i32
    scf.if %cond3A_39 {
      %get3A_40 = arith.constant 0 : index
      %get3A_41 = arith.constant 0 : index
      %get3A_42 = vector.load %arg8[%get3A_40, %get3A_41] : memref<1000x128xf32, #tpu.memory_space<vmem>>, vector<1000x128xf32>
      %get3A_43 = arith.constant 0 : index
      %get3A_44 = arith.constant 0 : index
      %get3A_45 = vector.load %arg9[%get3A_43, %get3A_44] : memref<1000x128xf32, #tpu.memory_space<vmem>>, vector<1000x128xf32>
      %add3A_46 = arith.addf %get3A_42, %get3A_45 : vector<1000x128xf32>
      %mul3A_47 = arith.constant 5.000000e-01 : f32
      %mul3A_48 = vector.broadcast %mul3A_47 : f32 to vector<1000x128xf32>
      %mul3A_49 = arith.mulf %add3A_46, %mul3A_48 : vector<1000x128xf32>
      %get3A_50 = arith.constant 0 : index
      %get3A_51 = arith.constant 0 : index
      %get3A_52 = vector.load %arg3[%get3A_50, %get3A_51] : memref<128x128xf32, #tpu.memory_space<vmem>>, vector<128x128xf32>
      %dot_general3A_53 = arith.constant dense<0.000000e+00> : vector<1000x128xf32>
      %dot_general3A_54 = tpu.matmul %mul3A_49, %get3A_52, %dot_general3A_53 {dimension_numbers = #tpu.dot_dimension_numbers<[1], [0], [0], [1], [0, 0, 1, 1], [], []>, transpose_lhs_hint = false} : vector<1000x128xf32>, vector<128x128xf32>, vector<1000x128xf32> -> vector<1000x128xf32>
      %get3A_55 = arith.constant 0 : index
      %get3A_56 = arith.constant 0 : index
      %get3A_57 = vector.load %arg4[%get3A_55, %get3A_56] : memref<256x128xf32, #tpu.memory_space<vmem>>, vector<128x128xf32>
      %dot_general3A_58 = arith.constant dense<0.000000e+00> : vector<1000x128xf32>
      %dot_general3A_59 = tpu.matmul %div3A_23, %get3A_57, %dot_general3A_58 {dimension_numbers = #tpu.dot_dimension_numbers<[1], [0], [0], [1], [0, 0, 1, 1], [], []>, transpose_lhs_hint = false} : vector<1000x128xf32>, vector<128x128xf32>, vector<1000x128xf32> -> vector<1000x128xf32>
      %get3A_60 = arith.constant 128 : index
      %get3A_61 = arith.constant 0 : index
      %get3A_62 = vector.load %arg4[%get3A_60, %get3A_61] : memref<256x128xf32, #tpu.memory_space<vmem>>, vector<128x128xf32>
      %dot_general3A_63 = arith.constant dense<0.000000e+00> : vector<1000x128xf32>
      %dot_general3A_64 = tpu.matmul %dot_general3A_54, %get3A_62, %dot_general3A_63 {dimension_numbers = #tpu.dot_dimension_numbers<[1], [0], [0], [1], [0, 0, 1, 1], [], []>, transpose_lhs_hint = false} : vector<1000x128xf32>, vector<128x128xf32>, vector<1000x128xf32> -> vector<1000x128xf32>
      %add3A_65 = arith.addf %dot_general3A_59, %dot_general3A_64 : vector<1000x128xf32>
      %ge3A_66 = arith.constant 0.000000e+00 : f32
      %ge3A_67 = vector.broadcast %ge3A_66 : f32 to vector<1000x128xf32>
      %ge3A_68 = arith.cmpf oge, %add3A_65, %ge3A_67 : vector<1000x128xf32>
      %mul3A_69 = arith.constant 2.000000e-01 : f32
      %mul3A_70 = vector.broadcast %mul3A_69 : f32 to vector<1000x128xf32>
      %mul3A_71 = arith.mulf %add3A_65, %mul3A_70 : vector<1000x128xf32>
      %select_n3A = arith.select %ge3A_68, %add3A_65, %mul3A_71 : vector<1000x128xi1>, vector<1000x128xf32>
      %mul3A_72 = arith.mulf %select_n3A, %select_n3A : vector<1000x128xf32>
      %reduce_sum3A_73 = arith.constant dense<0.000000e+00> : vector<1000xf32>
      %reduce_sum3A_74 = vector.multi_reduction <add>, %mul3A_72, %reduce_sum3A_73 [1] : vector<1000x128xf32> to vector<1000xf32>
      %broadcast_in_dim3A_75 = vector.shape_cast %reduce_sum3A_74 : vector<1000xf32> to vector<1000x1xf32>
      %sqrt3A_76 = math.sqrt %broadcast_in_dim3A_75 : vector<1000x1xf32>
      %max3A_77 = arith.constant 9.99999996E-13 : f32
      %max3A_78 = vector.broadcast %max3A_77 : f32 to vector<1000x1xf32>
      %max3A_79 = arith.maximumf %sqrt3A_76, %max3A_78 : vector<1000x1xf32>
      %div3A_80 = vector.broadcast %max3A_79 : vector<1000x1xf32> to vector<1000x128xf32>
      %div3A_81 = arith.divf %select_n3A, %div3A_80 : vector<1000x128xf32>
      %swap3A_82 = arith.constant 0 : index
      %swap3A_83 = arith.constant 0 : index
      %swap3A_84 = vector.load %arg11[%swap3A_82, %swap3A_83] : memref<1000x128xf32, #tpu.memory_space<vmem>>, vector<1000x128xf32>
      tpu.vector_store %arg11[%swap3A_82, %swap3A_83], %div3A_81 {strides = array<i32>} : memref<1000x128xf32, #tpu.memory_space<vmem>>, vector<1000x128xf32>,
    } else {
    }
    return
  }
  func.func @transform_0(%arg0: i32) -> (i32, i32) {
    %c0_i32 = arith.constant 0 : i32
    %c0_i32_0 = arith.constant 0 : i32
    %c0_i32_1 = arith.constant 0 : i32
    return %c0_i32, %c0_i32_0 : i32, i32
  }
  func.func @transform_1(%arg0: i32) -> (i32, i32) {
    %c0_i32 = arith.constant 0 : i32
    %c0_i32_0 = arith.constant 0 : i32
    %c0_i32_1 = arith.constant 0 : i32
    return %c0_i32, %c0_i32_0 : i32, i32
  }
  func.func @transform_2(%arg0: i32) -> (i32, i32) {
    %c0_i32 = arith.constant 0 : i32
    %c0_i32_0 = arith.constant 0 : i32
    %c0_i32_1 = arith.constant 0 : i32
    return %c0_i32, %c0_i32_0 : i32, i32
  }
  func.func @transform_3(%arg0: i32) -> (i32, i32) {
    %c0_i32 = arith.constant 0 : i32
    %c0_i32_0 = arith.constant 0 : i32
    %c0_i32_1 = arith.constant 0 : i32
    return %c0_i32, %c0_i32_0 : i32, i32
  }
  func.func @transform_4(%arg0: i32) -> (i32, i32) {
    %c0_i32 = arith.constant 0 : i32
    %c0_i32_0 = arith.constant 0 : i32
    return %arg0, %c0_i32 : i32, i32
  }
  func.func @transform_5(%arg0: i32) -> (i32, i32) {
    %c0_i32 = arith.constant 0 : i32
    %c0_i32_0 = arith.constant 0 : i32
    return %arg0, %c0_i32 : i32, i32
  }
  func.func @transform_6(%arg0: i32) -> (i32, i32) {
    %min3A = arith.constant 4 : i32
    %min3A_0 = arith.minsi %arg0, %min3A : i32
    %c0_i32 = arith.constant 0 : i32
    %c0_i32_1 = arith.constant 0 : i32
    return %min3A_0, %c0_i32 : i32, i32
  }
  func.func @transform_7(%arg0: i32) -> (i32, i32) {
    %sub3A = arith.constant 6 : i32
    %sub3A_0 = arith.subi %arg0, %sub3A : i32
    %jit3A = arith.constant 0 : i32
    %jit3A_1 = arith.constant 2 : i32
    %max3A = arith.maxsi %jit3A, %sub3A_0 : i32
    %min3A = arith.minsi %jit3A_1, %max3A : i32
    %c0_i32 = arith.constant 0 : i32
    %c0_i32_2 = arith.constant 0 : i32
    return %min3A, %c0_i32 : i32, i32
  }
  func.func @transform_8(%arg0: i32) -> (i32, i32) {
    %le3A = arith.constant 4 : i32
    %le3A_0 = arith.cmpi sle, %arg0, %le3A : i32
    %sub3A = arith.constant 1 : i32
    %sub3A_1 = arith.subi %arg0, %sub3A : i32
    %jit3A = arith.constant 0 : i32
    %jit3A_2 = arith.constant 9 : i32
    %max3A = arith.maxsi %jit3A, %sub3A_1 : i32
    %min3A = arith.minsi %jit3A_2, %max3A : i32
    %select_n3A = arith.select %le3A_0, %arg0, %min3A : i32
    %c0_i32 = arith.constant 0 : i32
    %c0_i32_3 = arith.constant 0 : i32
    return %select_n3A, %c0_i32 : i32, i32
  }
  func.func @transform_9(%arg0: i32) -> (i32, i32) {
    %c0_i32 = arith.constant 0 : i32
    %c0_i32_0 = arith.constant 0 : i32
    return %arg0, %c0_i32 : i32, i32
  }
  func.func @transform_10(%arg0: i32) -> (i32, i32) {
    %c0_i32 = arith.constant 0 : i32
    %c0_i32_0 = arith.constant 0 : i32
    return %arg0, %c0_i32 : i32, i32
  }
}

</mosaic_0001>

<sc_bundles>
// kernel: kernel.5.cloned.1.call-start
scs
__scs_entry_jumppad:
0x0: {  	(pc) =	sbr.rel $0x88, $3  }
0x1: {  	(tag) =	ssettag $0x0;
	lr =	simm.s32 $0x1  }
0x2: {  	[smem:$0x3F96] =	sst lr;
	_ =	strace $0xD0000000  }
0x3: {  	_ = 	snop  }
0x4: {  	_ = 	snop  }
0x5: {  	_ = 	snop  }
0x6: {  	_ = 	snop  }
0x7: {  	_ = 	snop  }
__scs_overlays_trampoline_lowered:
0x8: {  	[smem:$0x3FA5] =	sst s0  }
0x9: {  	[smem:$0x3FA6] =	sst s1  }
0xa: {  	[smem:$0x3FA7] =	sst s2  }
0xb: {  	[smem:$0x3FA8] =	sst s3  }
0xc: {  	[smem:$0x3FA9] =	sst s4  }
0xd: {  	[smem:$0x3FAA] =	sst s5  }
0xe: {  	[smem:$0x3FAB] =	sst s6  }
0xf: {  	[smem:$0x3FAC] =	sst s7  }
0x10: {  	[smem:$0x3FAD] =	sst s8  }
0x11: {  	[smem:$0x3FAE] =	sst s9;
	s0 =	simm.s32 @!p0 $0x0  }
0x12: {  	s1 =	sld [smem:$0x3F94];
	s0 =	simm.s32 @p0 $0x1  }
0x13: {  	[smem:$0x3FAF] =	sst s0;
	s0 =	simm.s32 @!p1 $0x0  }
0x14: {  	s2 =	sld [smem:$0x3F93];
	s0 =	simm.s32 @p1 $0x1  }
0x15: {  	[smem:$0x3FB0] =	sst s0;
	s0 =	simm.s32 @!p2 $0x0  }
0x16: {  	s3 =	sld [smem:$0x3FDB];
	s0 =	simm.s32 @p2 $0x1  }
0x17: {  	s4 =	simm.s32 $0x1BF5;
	[smem:$0x3FB2] =	sst s0  }
0x18: {  	s0 =	sld [smem:$0x3F95];
	_ =	swait.ge [sflag:s4], $0x0  }
0x19: {  	s7 =	sld [smem:$0x3F96]  }
0x1a: {  	s8 =	sadd.s32 $0xFFFFE003, lr  }
0x1b: {  	s9 =	sadd.s32 $0xFFFFFEF7, lr;
	s5 =	simm.s32 $0xFFFFFFFF;
	p2 =	slt.u32 s8, $0xFFFFF086  }
0x1c: {  	p1 =	slt.u32 s9, $0xF7A;
	s5 =	simm.s32 @!p2 $0x0  }
0x1d: {  	s5 =	simm.s32 @p1 $0x1;
	p0 =	seq.s32 s7, s2  }
0x1e: {  	s7 =	smul.u32 @!p0 $0xF7A, s2;
	p2 =	seq.s32 @!p0 s5, $0x0  }
0x1f: {  	s9 =	smul.u32 $0xF7A, s1;
	s8 =	simm.s32 @!p0 $0x1BF5;
	p2 =	por !p2, p0  }
0x20: {  	[sflag:s8] =	ssyncset.s32 @!p0 $0xFFFFF086;
	s6 =	sadd.s32 @!p0 s3, s7;
	s7 =	simm.s32 @!p0 $0x108  }
0x21: {  	s3 =	sadd.s32 s3, s9;
	s6 =	sadd.s32 @!p0 $0x88, s6;
	s7 =	simm.s32 @p2 $0x1082  }
0x22: {  	[simem:s7], [sflag:s8] =	dma.local @!p0 [hbm:s6], $0xF7A  }
0x23: {  	s9 =	sor.u32 $0xD0000000, s2;
	s6 =	simm.s32 $0x108;
	_ =	swait.ge @!p0 [sflag:s8], $0x0  }
0x24: {  	s3 =	sadd.s32 $0x88, s3;
	s6 =	simm.s32 @!p1 $0x1082;
	[sflag:s4] =	ssyncset.s32 $0xFFFFF086  }
0x25: {  	[simem:s6], [sflag:s4] =	dma.local [hbm:s3], $0xF7A  }
0x26: {  	[smem:$0x3F96] =	sst s1;
	(tag) =	ssettag s2;
	_ =	strace s9  }
0x27: {  	s1 =	sld [smem:$0x3FA6]  }
0x28: {  	s2 =	sld [smem:$0x3FA7]  }
0x29: {  	s4 =	sld [smem:$0x3FA9]  }
0x2a: {  	p0 =	seq.s32 s5, $0x0;
	s5 =	sld [smem:$0x3FAA]  }
0x2b: {  	s6 =	sld [smem:$0x3FAB]  }
0x2c: {  	s7 =	sld [smem:$0x3FAC]  }
0x2d: {  	s3 =	simm.s32 $0x108;
	s8 =	sld [smem:$0x3FAD]  }
0x2e: {  	s3 =	simm.s32 @!p0 $0x1082;
	s9 =	sld [smem:$0x3FAE]  }
0x2f: {  	lr =	sadd.s32 s0, s3;
	s0 =	sld [smem:$0x3FA5]  }
0x30: {  	s3 =	sld [smem:$0x3FA8]  }
0x31: {  	[smem:$0x3FB1] =	sst s10  }
0x32: {  	s10 =	sld [smem:$0x3FAF];
	_ =	sdelay $0x3  }
0x33: {  	p0 =	seq.s32 s10, $0x1;
	s10 =	sld [smem:$0x3FB1];
	_ =	sdelay $0x3  }
0x34: {  	[smem:$0x3FB1] =	sst s10  }
0x35: {  	s10 =	sld [smem:$0x3FB0];
	_ =	sdelay $0x3  }
0x36: {  	p1 =	seq.s32 s10, $0x1;
	s10 =	sld [smem:$0x3FB1];
	_ =	sdelay $0x3  }
0x37: {  	[smem:$0x3FB1] =	sst s10  }
0x38: {  	s10 =	sld [smem:$0x3FB2]  }
0x39: {  	_ = 	snop;
	(pc) =	sbr.ind lr, $3  }
0x3a: {  	_ = 	snop  }
0x3b: {  	_ = 	snop  }
0x3c: {  	p2 =	seq.s32 s10, $0x1;
	s10 =	sld [smem:$0x3FB1]  }
0x3d: {  	_ =	shalt  }
0x3e: {  	_ =	shalt  }
0x3f: {  	_ =	shalt  }
0x40: {  	_ =	shalt  }
0x41: {  	_ =	shalt  }
0x42: {  	_ =	shalt  }
0x43: {  	_ =	shalt  }
0x44: {  	_ =	shalt  }
0x45: {  	_ =	shalt  }
0x46: {  	_ =	shalt  }
0x47: {  	_ =	shalt  }
0x48: {  	_ =	shalt  }
0x49: {  	_ =	shalt  }
0x4a: {  	_ =	shalt  }
0x4b: {  	_ =	shalt  }
0x4c: {  	_ =	shalt  }
0x4d: {  	_ =	shalt  }
0x4e: {  	_ =	shalt  }
0x4f: {  	_ =	shalt  }
0x50: {  	_ =	shalt  }
0x51: {  	_ =	shalt  }
0x52: {  	_ =	shalt  }
0x53: {  	_ =	shalt  }
0x54: {  	_ =	shalt  }
0x55: {  	_ =	shalt  }
0x56: {  	_ =	shalt  }
0x57: {  	_ =	shalt  }
0x58: {  	_ =	shalt  }
0x59: {  	_ =	shalt  }
0x5a: {  	_ =	shalt  }
0x5b: {  	_ =	shalt  }
0x5c: {  	_ =	shalt  }
0x5d: {  	_ =	shalt  }
0x5e: {  	_ =	shalt  }
0x5f: {  	_ =	shalt  }
0x60: {  	_ =	shalt  }
0x61: {  	_ =	shalt  }
0x62: {  	_ =	shalt  }
0x63: {  	_ =	shalt  }
0x64: {  	_ =	shalt  }
0x65: {  	_ =	shalt  }
0x66: {  	_ =	shalt  }
0x67: {  	_ =	shalt  }
0x68: {  	_ =	shalt  }
0x69: {  	_ =	shalt  }
0x6a: {  	_ =	shalt  }
0x6b: {  	_ =	shalt  }
0x6c: {  	_ =	shalt  }
0x6d: {  	_ =	shalt  }
0x6e: {  	_ =	shalt  }
0x6f: {  	_ =	shalt  }
0x70: {  	_ =	shalt  }
0x71: {  	_ =	shalt  }
0x72: {  	_ =	shalt  }
0x73: {  	_ =	shalt  }
0x74: {  	_ =	shalt  }
0x75: {  	_ =	shalt  }
0x76: {  	_ =	shalt  }
0x77: {  	_ =	shalt  }
0x78: {  	_ =	shalt  }
0x79: {  	_ =	shalt  }
0x7a: {  	_ =	shalt  }
0x7b: {  	_ =	shalt  }
0x7c: {  	_ =	shalt  }
0x7d: {  	_ =	shalt  }
0x7e: {  	_ =	shalt  }
0x7f: {  	_ =	shalt  }
0x80: {  	_ =	shalt  }
0x81: {  	_ =	shalt  }
0x82: {  	_ =	shalt  }
0x83: {  	_ =	shalt  }
0x84: {  	_ =	shalt  }
0x85: {  	_ =	shalt  }
0x86: {  	_ =	shalt  }
0x87: {  	_ =	shalt  }
.Lfunc_end0:
.L_simem_size_0:
called_computation_lowered:
.L_overlay_start_0:
0x88: {  	s2 =	sld [smem:$0x3FD9]  }
0x89: {  	s3 =	sld [smem:$0x3FFE];
	_ =	sdelay $0x1  }
0x8a: {  	s1 =	srdreg.scid  }
0x8b: {  	s0 =	sand.u32 $0x1, s1  }
0x8c: {  	s14 =	sshll.u32 s0, $0xA;
	s2 =	sadd.s32 s3, s2  }
0x8d: {  	s2 =	sadd.s32 s2, s14  }
0x8e: {  	[smem:$0x3FBD] =	sst s2  }
0x8f: {  	_ = 	snop  }
0x90: {  	s2 =	sld [smem:$0x3FD0];
	_ =	sdelay $0x2  }
0x91: {  	s15 =	simm.s32 $0xA;
	s4 =	simm.s32 $0x10  }
0x92: {  	[smem:s4], [sflag:s15] =	dma.local [hbm:s2], $0x1  }
0x93: {  	_ =	swait.eq [sflag:s15], $0x1  }
0x94: {  	[sflag:s15] =	ssyncset.done $0x0  }
0x95: {  	s16 =	sld [smem:$0x11];
	[sflag:s15] =	ssyncadd.s32 $0xFFFFFFFF  }
0x96: {  	s17 =	sld [smem:$0x12];
	(tm) =	ssettm $0x1  }
0x97: {  	s18 =	sld [smem:$0x3FFB];
	_ =	sdelay $0x3  }
0x98: {  	_ =	strace s18  }
0x99: {  	s4 =	sld [smem:$0x3FFC];
	_ =	sdelay $0x3  }
0x9a: {  	_ =	strace s4  }
0x9b: {  	s4 =	sld [smem:$0x3FFD];
	_ =	sdelay $0x3  }
0x9c: {  	_ =	strace s4  }
0x9d: {  	_ =	strace $0x8FFFFFFF  }
0x9e: {  	s19 =	sld [smem:$0x3FDB];
	_ =	sdelay $0x1  }
0x9f: {  	s5 =	simm.s32 $_scs_section_size  }
0xa0: {  	s6 =	simm.s32 $_size__tile_overlayer_lowered;
	s7 =	simm.s32 $_tile_overlayer_lowered  }
0xa1: {  	s22 =	simm.s32 $0x1BFF;
	s21 =	sshll.u32 s7, $0x1;
	s4 =	sadd.s32 s5, s19  }
0xa2: {  	s8 =	simm.s32 $0x0;
	s20 =	sshll.u32 s6, $0x1;
	s6 =	sadd.s32 s21, s4  }
0xa3: {  	[timem:s8], [sflag:s22] =	dma.local [hbm:s6], s20  }
0xa4: {  	_ =	swait.ge [sflag:s22], s20  }
0xa5: {  	s5 =	ssub.s32 $0x0, s20;
	[sflag:s22] =	ssyncset.done $0x0  }
0xa6: {  	[sflag:s22] =	ssyncadd.s32 s5;
	_ =	sdelay $0x1  }
0xa7: {  	s23 =	simm.s32 $0x1B8B  }
0xa8: {  	_ =	swait.ge [sflag:s23], $0x1  }
0xa9: {  	[sflag:s23] =	ssyncset.done $0x0  }
0xaa: {  	s25 =	simm.s32 $0x1B8E;
	s24 =	sld [smem:$0x3FFE];
	[sflag:s23] =	ssyncadd.s32 $0xFFFFFFFF  }
0xab: {  	s26 =	simm.s32 $execute0_lowered;
	[smem:$0x3FD2] =	sst s25  }
0xac: {  	s6 =	sshll.u32 s26, $0x1;
	_ =	strace $0x80000046;
	[dreg:$0x1] =	wrdreg $0xFFFFFFFF  }
0xad: {  	s28 =	simm.s32 $_size_execute0_lowered;
	s4 =	sadd.s32 s4, s6;
	[dreg:$0x0] =	wrdreg $0x0  }
0xae: {  	s6 =	sshll.u32 s28, $0x1;
	[dreg:$0x2] =	wrdreg s4  }
0xaf: {  	[dreg:$0x3] =	wrdreg s6  }
0xb0: {  	[dreg:$0x4] =	wrdreg $0xC0  }
0xb1: {  	_ =	task [dreg:s8], $0x5FFFF  }
0xb2: {  	[dreg:$0x1] =	wrdreg $0xFFFFFFFF  }
0xb3: {  	[dreg:$0x0] =	wrdreg $0x60  }
0xb4: {  	[dreg:$0x2] =	wrdreg s17  }
0xb5: {  	[dreg:$0x3] =	wrdreg s24  }
0xb6: {  	[dreg:$0x4] =	wrdreg s16  }
0xb7: {  	[dreg:$0x5] =	wrdreg $0x0  }
0xb8: {  	[dreg:$0x6] =	wrdreg $0x9  }
0xb9: {  	_ =	task.clear_ibuf [dreg:s8], $0x7FFFF;
	_ =	strace $0x90000046  }
0xba: {  	s29 =	simm.s32 $0x9;
	_ =	strace $0x80000048  }
0xbb: {  	_ =	swait.ge [sflag:s29], $0x1  }
0xbc: {  	[sflag:s29] =	ssyncadd.s32 $0xFFFFFFFF  }
0xbd: {  	_ =	strace $0x90000048  }
0xbe: {  	_ =	sfence  }
0xbf: {  	s30 =	sld [smem:$0x0];
	_ =	sdelay $0x2  }
0xc0: {  	s31 =	sshll.u32 s1, $0xD;
	s1 =	sshrl.u32 s1, $0x2  }
0xc1: {  	s3 =	sand.u32 $0x4000, s31;
	s1 =	sadd.s32 s1, s30  }
0xc2: {  	s0 =	sor.u32 s3, s0;
	s1 =	sshll.u32 s1, $0x11  }
0xc3: {  	s0 =	sor.u32 s1, s0  }
0xc4: {  	s0 =	sadd.s32 $0x8F2B, s0  }
0xc5: {  	[sflag:s0] =	ssyncadd.remote.s32 $0x1  }
0xc6: {  	_ =	sfence.sel $0xFFFF  }
0xc7: {  	[dreg:$0x0] =	wrdreg $0xFFFFFFFF;
	(pc) =	sbr.abs _section_cstart, $3  }
0xc8: {  	[dreg:$0x1] =	wrdreg $0xFFFFFFFF  }
0xc9: {  	_ =	task.clear_ibuf [dreg:s8], $0x2FFFF;
	_ =	strace $0x9FFFFFFF  }
0xca: {  	(tm) =	ssettm $0x7FFFFFFF  }
0xcb: {  	_ =	shalt  }
tec
execute0_lowered:
.L_overlay_start_1:
0x0: {  	(tag) =	ssettag $0x1  }
0x1: {  	s0 =	rddreg [dreg:$0x0]  }
0x2: {  	s1 =	rddreg [dreg:$0x1];
	s3 =	srdreg.scid  }
0x3: {  	s15 =	stileid.u32;
	s2 =	rddreg [dreg:$0x2];
	s6 =	simm.s32 $0x0  }
0x4: {  	s17 =	simm.s32 $0x13880;
	s18 =	simm.s32 $0x7;
	s19 =	simm.s32 $0x40  }
0x5: {  	s22 =	simm.s32 $0x1A880;
	s23 =	simm.s32 $0x13980;
	s24 =	simm.s32 $0x1C880  }
0x6: {  	s25 =	simm.s32 $0x1;
	s26 =	simm.s32 $0x2;
	s28 =	simm.s32 $0x3  }
0x7: {  	s29 =	simm.s32 $0x0;
	s4 =	sand.u32 $0x1, s3;
	s3 =	rddreg [dreg:$0x3]  }
0x8: {  	s5 =	sshll.u32 s15, $0x1;
	[smem:$0x7FF] =	sst s6;
	s30 =	smul.u32 $0x4F000, s15  }
0x9: {  	s7 =	smul.u32 $0x2780, s15;
	p0 =	seq.s32 s15, $0xF;
	s20 =	sor.u32 s4, s5  }
0xa: {  	_ =	strace $0x80000047;
	s4 =	ssub.s32 $0x2, s4;
	s14 =	sadd.s32 $0x128400, s3  }
0xb: {  	s5 =	smul.u32 $0xA00, s20;
	s31 =	sshrl.u32 s4, $0x1;
	s6 =	sshrl.u32 s30, $0x2  }
0xc: {  	s14 =	sshrl.u32 @p0 s14, $0x3;
	s4 =	ssub.s32 s4, s31;
	s16 =	sadd.s32 s6, s3  }
.Ltmp0:
0xd: {  	s6 =	sadd.s32 s0, s7;
	s7 =	sadd.s32 $0x25080, s0;
	(pc) =	sbr.rel .LBB2_1-.Ltmp0, $4  }
0xe: {  	s0 =	sshll.u32 @!p0 s15, $0x6;
	s1 =	sadd.s32 s5, s1;
	s5 =	smul.u32 $0x13E, s20  }
0xf: {  	p1 =	seq.s32 s20, $0x1F;
	s11 =	smax.u32 s4, $0x1;
	s15 =	sor.u32 @!p0 $0x1C07, s0  }
0x10: {  	s16 =	sshrl.u32 @!p0 s16, $0x3;
	s8 =	sadd.s32 $0x3A00, s1;
	s9 =	sadd.s32 $0x2, s5  }
0x11: {  	s10 =	sadd.s32 $0x4, s5;
	s12 =	ssub.s32 $0x2715, s5;
	s13 =	ssub.s32 $0x2713, s5  }
.LBB2_16:
0x12: {  	s0 =	simm.s32 @!p1 $0x4  }
0x13: {  	_ =	swait.ge @!p1 [sflag:s0], $0x100  }
0x14: {  	[sflag:s0] =	ssyncset.done @!p1 $0x0  }
0x15: {  	s29 =	sadd.s32 $0x1, s29;
	[sflag:s0] =	ssyncadd.s32 @!p1 $0xFFFFFF00;
	s0 =	simm.s32 @!p1 $0x5  }
0x16: {  	p2 =	sne.s32 s29, s11;
	_ =	swait.ge @!p1 [sflag:s0], $0x100  }
.Ltmp1:
0x17: {  	[sflag:s0] =	ssyncset.done @!p1 $0x0;
	(pc) =	sbr.rel @!p2 .LBB2_17-.Ltmp1, $4  }
0x18: {  	[sflag:s0] =	ssyncadd.s32 @!p1 $0xFFFFFF00;
	s0 =	simm.s32 @!p1 $0x6  }
0x19: {  	_ =	swait.ge @!p1 [sflag:s0], $0x100  }
0x1a: {  	[sflag:s0] =	ssyncset.done @!p1 $0x0  }
0x1b: {  	[sflag:s0] =	ssyncadd.s32 @!p1 $0xFFFFFF00  }
.LBB2_1:
0x1c: {  	s0 =	simm.s32 @p0 $0x1FC7  }
0x1d: {  	[spmem:s14], [sflag:s0] =	dma.local @p0 [hbm:s7], $0x2080  }
0x1e: {  	s0 =	simm.s32 @p0 $0x7  }
0x1f: {  	_ =	swait.ge @p0 [sflag:s0], $0x2080  }
0x20: {  	[sflag:s0] =	ssyncset.done @p0 $0x0  }
0x21: {  	[sflag:s0] =	ssyncadd.s32 @p0 $0xFFFFDF80;
	s0 =	simm.s32 @!p0 $0x7  }
0x22: {  	[spmem:s16], [sflag:s15] =	dma.local @!p0 [hbm:s6], $0x2780  }
0x23: {  	_ =	swait.ge @!p0 [sflag:s0], $0x2780  }
0x24: {  	[sflag:s0] =	ssyncset.done @!p0 $0x0  }
0x25: {  	s20 =	simm.s32 $0x0;
	[sflag:s0] =	ssyncadd.s32 @!p0 $0xFFFFD880  }
0x26: {  	[tilespmem:s17], [sflag:$0x7] =	stream.linear.gather [hbm4b:s8+s20], $0x4F80, $0x38;
	[tilespmem:$0x1EB80] =	vst v63  }
0x27: {  	_ =	swait.ge [sflag:s18], $0x4F80  }
0x28: {  	[sflag:s18] =	ssyncset.done $0x0  }
0x29: {  	[sflag:s18] =	ssyncadd.s32 $0xFFFFB080  }
0x2a: {  	s21 =	simm.s32 $0x18880;
	[bflag:$0x0] =	sbarrier.arrive $0xFFFF  }
0x2b: {  	[tilespmem:s21], [sflag:$0x1] =	stream.indirect.gather [spmem:s3], $0x80, s17, s19, $0xb8;
	[tilespmem:$0x1EB80] =	vst v63  }
0x2c: {  	s31 =	simm.s32 $0x13900  }
0x2d: {  	[tilespmem:s22], [sflag:$0x2] =	stream.indirect.gather [spmem:s3], $0x80, s31, s19, $0xb8;
	[tilespmem:$0x1EB80] =	vst v63  }
0x2e: {  	s30 =	simm.s32 $0x0  }
0x2f: {  	[tilespmem:s24], [sflag:$0x3] =	stream.indirect.gather [spmem:s3], $0x80, s23, s19, $0xb8;
	[tilespmem:$0x1EB80] =	vst v63  }
.LBB2_2:
0x30: {  	s31 =	smul.u32 $0x6, s30  }
0x31: {  	p2 =	seq.s32 s30, $0x0  }
0x32: {  	_ =	swait.ge [sflag:s25], $0x2000;
	p3 =	sge.s32 @!p2 s31, s12  }
0x33: {  	[sflag:s25] =	ssyncset.done $0x0;
	p3 =	por p3, p2  }
0x34: {  	[sflag:s25] =	ssyncadd.s32 $0xFFFFE000;
	s0 =	simm.s32 @!p3 $0x4  }
0x35: {  	_ =	swait.ge @!p3 [sflag:s0], $0x100  }
0x36: {  	[sflag:s0] =	ssyncset.done @!p3 $0x0  }
0x37: {  	[sflag:s0] =	ssyncadd.s32 @!p3 $0xFFFFFF00  }
0x38: {  	v8 =	vld [tilespmem:$0x18880]  }
0x39: {  	v10 =	vld [tilespmem:$0x18890]  }
0x3a: {  	v5 =	vld [tilespmem:$0x188A0]  }
0x3b: {  	v4 =	vld [tilespmem:$0x188B0]  }
0x3c: {  	v3 =	vld [tilespmem:$0x188C0]  }
0x3d: {  	v2 =	vld [tilespmem:$0x188D0]  }
0x3e: {  	v1 =	vld [tilespmem:$0x188E0]  }
0x3f: {  	s4 =	simm.s32 $0x0;
	v0 =	vld [tilespmem:$0x188F0]  }
0x40: {  	v6 =	vld [tilespmem:s4+$0x18970]  }
0x41: {  	v9 =	vld [tilespmem:s4+$0x18900]  }
0x42: {  	v13 =	vld [tilespmem:s4+$0x18910]  }
0x43: {  	v12 =	vld [tilespmem:s4+$0x18920]  }
0x44: {  	v11 =	vld [tilespmem:s4+$0x18930]  }
0x45: {  	v7 =	vld [tilespmem:s4+$0x18940]  }
0x46: {  	v0 =	vadd.f32 v6, v0;
	v6 =	vld [tilespmem:s4+$0x18950]  }
0x47: {  	s1 =	simm.s32 $0x400;
	s0 =	simm.s32 $0x80;
	v9 =	vadd.f32 v9, v8;
	v10 =	vadd.f32 v13, v10;
	v8 =	vld [tilespmem:s4+$0x18960]  }
.LBB2_3:
0x48: {  	p3 =	sne.s32 s1, $0x3C00;
	v13 =	vld [tilespmem:s0+$0x18970];
	v5 =	vadd.f32 v12, v5  }
0x49: {  	v14 =	vld [tilespmem:s0+$0x18900];
	v4 =	vadd.f32 v11, v4  }
0x4a: {  	v15 =	vld [tilespmem:s0+$0x18910];
	v3 =	vadd.f32 v7, v3  }
.Ltmp2:
0x4b: {  	v12 =	vld [tilespmem:s0+$0x18920];
	v2 =	vadd.f32 v6, v2;
	(pc) =	sbr.rel @p3 .LBB2_3-.Ltmp2, $4  }
0x4c: {  	v11 =	vld [tilespmem:s0+$0x18930];
	v1 =	vadd.f32 v8, v1  }
0x4d: {  	v7 =	vld [tilespmem:s0+$0x18940];
	v0 =	vadd.f32 v13, v0  }
0x4e: {  	v9 =	vadd.f32 v14, v9;
	v6 =	vld [tilespmem:s0+$0x18950]  }
0x4f: {  	v10 =	vadd.f32 v15, v10;
	v8 =	vld [tilespmem:s0+$0x18960];
	s0 =	sshra.s32 s1, $0x2;
	s1 =	sadd.s32 $0x200, s1  }
0x50: {  	v13 =	vld [tilespmem:s0+$0x18970]  }
0x51: {  	v14 =	vld [tilespmem:s0+$0x18900]  }
0x52: {  	v15 =	vld [tilespmem:s0+$0x18910]  }
0x53: {  	v16 =	vld [tilespmem:s0+$0x18920]  }
0x54: {  	v17 =	vld [tilespmem:s0+$0x18930]  }
0x55: {  	v18 =	vld [tilespmem:s0+$0x18940];
	v5 =	vadd.f32 v12, v5;
	v4 =	vadd.f32 v11, v4  }
0x56: {  	v12 =	vld [tilespmem:s0+$0x18950];
	v3 =	vadd.f32 v7, v3;
	v9 =	vadd.f32 v14, v9  }
0x57: {  	v11 =	vld [tilespmem:s0+$0x18960];
	v2 =	vadd.f32 v6, v2;
	v10 =	vadd.f32 v15, v10  }
0x58: {  	v6 =	vadd.f32 v8, v1;
	v1 =	vld [tilespmem:$0x198A0];
	v5 =	vadd.f32 v16, v5;
	[tilespmem:$0x1E880] =	vst v9  }
0x59: {  	v4 =	vadd.f32 v17, v4;
	v14 =	vld [tilespmem:$0x19890];
	[tilespmem:$0x1E890] =	vst v10  }
0x5a: {  	v3 =	vadd.f32 v18, v3;
	v7 =	vadd.f32 v13, v0;
	v0 =	vld [tilespmem:$0x198E0];
	[tilespmem:$0x1E8A0] =	vst v5  }
0x5b: {  	v9 =	vld [tilespmem:$0x19880];
	[tilespmem:$0x1E8B0] =	vst v4  }
0x5c: {  	v6 =	vadd.f32 v11, v6;
	v5 =	vadd.f32 v12, v2;
	v2 =	vld [tilespmem:$0x198B0];
	[tilespmem:$0x1E8C0] =	vst v3  }
0x5d: {  	v3 =	vld [tilespmem:$0x198C0];
	[tilespmem:$0x1E8F0] =	vst v7  }
0x5e: {  	v4 =	vld [tilespmem:$0x198D0];
	[tilespmem:$0x1E8E0] =	vst v6  }
0x5f: {  	s4 =	simm.s32 $0x0;
	[tilespmem:$0x1E8D0] =	vst v5;
	v5 =	vld [tilespmem:$0x198F0]  }
0x60: {  	v7 =	vld [tilespmem:s4+$0x19970]  }
0x61: {  	v8 =	vld [tilespmem:s4+$0x19900]  }
0x62: {  	v11 =	vld [tilespmem:s4+$0x19910]  }
0x63: {  	v12 =	vld [tilespmem:s4+$0x19920]  }
0x64: {  	v10 =	vld [tilespmem:s4+$0x19930]  }
0x65: {  	v6 =	vld [tilespmem:s4+$0x19940]  }
0x66: {  	v5 =	vadd.f32 v7, v5;
	v7 =	vld [tilespmem:s4+$0x19950]  }
0x67: {  	s1 =	simm.s32 $0x400;
	s0 =	simm.s32 $0x80;
	v8 =	vadd.f32 v8, v9;
	v9 =	vadd.f32 v11, v14;
	v11 =	vld [tilespmem:s4+$0x19960]  }
.LBB2_5:
0x68: {  	p3 =	sne.s32 s1, $0x3C00;
	v13 =	vld [tilespmem:s0+$0x19970];
	v1 =	vadd.f32 v12, v1  }
0x69: {  	v14 =	vld [tilespmem:s0+$0x19900];
	v2 =	vadd.f32 v10, v2  }
0x6a: {  	v15 =	vld [tilespmem:s0+$0x19910];
	v3 =	vadd.f32 v6, v3  }
.Ltmp3:
0x6b: {  	v12 =	vld [tilespmem:s0+$0x19920];
	v4 =	vadd.f32 v7, v4;
	(pc) =	sbr.rel @p3 .LBB2_5-.Ltmp3, $4  }
0x6c: {  	v10 =	vld [tilespmem:s0+$0x19930];
	v0 =	vadd.f32 v11, v0  }
0x6d: {  	v6 =	vld [tilespmem:s0+$0x19940];
	v5 =	vadd.f32 v13, v5  }
0x6e: {  	v8 =	vadd.f32 v14, v8;
	v7 =	vld [tilespmem:s0+$0x19950]  }
0x6f: {  	v9 =	vadd.f32 v15, v9;
	v11 =	vld [tilespmem:s0+$0x19960];
	s0 =	sshra.s32 s1, $0x2;
	s1 =	sadd.s32 $0x200, s1  }
0x70: {  	v14 =	vld [tilespmem:s0+$0x19900]  }
0x71: {  	v15 =	vld [tilespmem:s0+$0x19910]  }
0x72: {  	v16 =	vld [tilespmem:s0+$0x19920]  }
0x73: {  	v17 =	vld [tilespmem:s0+$0x19930]  }
0x74: {  	v18 =	vld [tilespmem:s0+$0x19940];
	v1 =	vadd.f32 v12, v1  }
0x75: {  	v2 =	vadd.f32 v10, v2;
	v10 =	vld [tilespmem:s0+$0x19960];
	v8 =	vadd.f32 v14, v8  }
0x76: {  	v12 =	vld [tilespmem:s0+$0x19950];
	v9 =	vadd.f32 v15, v9  }
0x77: {  	v13 =	vld [tilespmem:s0+$0x19970];
	v3 =	vadd.f32 v6, v3;
	v1 =	vadd.f32 v16, v1;
	[tilespmem:$0x1E900] =	vst v8  }
0x78: {  	v0 =	vadd.f32 v11, v0;
	v2 =	vadd.f32 v17, v2;
	[tilespmem:$0x1E910] =	vst v9  }
0x79: {  	v4 =	vadd.f32 v7, v4;
	v3 =	vadd.f32 v18, v3;
	[tilespmem:$0x1E920] =	vst v1  }
0x7a: {  	v0 =	vadd.f32 v10, v0;
	[tilespmem:$0x1E930] =	vst v2  }
0x7b: {  	s1 =	sadd.s32 s5, s31;
	v1 =	vadd.f32 v12, v4;
	[tilespmem:$0x1E940] =	vst v3  }
0x7c: {  	p3 =	seq.s32 s30, $0x34;
	p4 =	sgt.u32 s1, $0x270E;
	v2 =	vadd.f32 v13, v5;
	[tilespmem:$0x1E960] =	vst v0  }
0x7d: {  	s21 =	smul.u32 @!p3 $0x600, s30;
	s0 =	sshll.u32 @!p4 s1, $0x4;
	[tilespmem:$0x1E950] =	vst v1  }
0x7e: {  	s4 =	simm.s32 @!p4 $0x0;
	s20 =	simm.s32 @!p4 $0x1E880;
	s0 =	sadd.s32 @!p4 s2, s0;
	[tilespmem:$0x1E970] =	vst v2  }
0x7f: {  	[hbm4b:s0+s4] =	stream.linear.scatter @!p4 [tilespmem:s20], [sflag:$0x4], $0x100, $0x38;
	[tilespmem:$0x1EB80] =	vst v63  }
0x80: {  	s0 =	sshra.s32 @!p3 s21, $0x2  }
0x81: {  	s20 =	simm.s32 @!p3 $0x40;
	s21 =	simm.s32 @!p3 $0x18880;
	s4 =	sadd.s32 @!p3 $0x13A00, s0  }
0x82: {  	[tilespmem:s21], [sflag:$0x1] =	stream.indirect.gather @!p3 [spmem:s3], $0x80, s4, s20, $0xb8;
	[tilespmem:$0x1EB80] =	vst v63  }
0x83: {  	p4 =	sge.s32 @!p2 s31, s13;
	_ =	swait.ge [sflag:s26], $0x2000  }
0x84: {  	p4 =	por p4, p2;
	[sflag:s26] =	ssyncset.done $0x0  }
0x85: {  	s4 =	simm.s32 @!p4 $0x5;
	[sflag:s26] =	ssyncadd.s32 $0xFFFFE000  }
0x86: {  	_ =	swait.ge @!p4 [sflag:s4], $0x100  }
0x87: {  	[sflag:s4] =	ssyncset.done @!p4 $0x0  }
0x88: {  	[sflag:s4] =	ssyncadd.s32 @!p4 $0xFFFFFF00  }
0x89: {  	v8 =	vld [tilespmem:$0x1A880]  }
0x8a: {  	v10 =	vld [tilespmem:$0x1A890]  }
0x8b: {  	v5 =	vld [tilespmem:$0x1A8A0]  }
0x8c: {  	v4 =	vld [tilespmem:$0x1A8B0]  }
0x8d: {  	v3 =	vld [tilespmem:$0x1A8C0]  }
0x8e: {  	v2 =	vld [tilespmem:$0x1A8D0]  }
0x8f: {  	v1 =	vld [tilespmem:$0x1A8E0]  }
0x90: {  	s21 =	simm.s32 $0x0;
	v0 =	vld [tilespmem:$0x1A8F0]  }
0x91: {  	v6 =	vld [tilespmem:s21+$0x1A970]  }
0x92: {  	v9 =	vld [tilespmem:s21+$0x1A900]  }
0x93: {  	v13 =	vld [tilespmem:s21+$0x1A910]  }
0x94: {  	v12 =	vld [tilespmem:s21+$0x1A920]  }
0x95: {  	v11 =	vld [tilespmem:s21+$0x1A930]  }
0x96: {  	v7 =	vld [tilespmem:s21+$0x1A940]  }
0x97: {  	v0 =	vadd.f32 v6, v0;
	v6 =	vld [tilespmem:s21+$0x1A950]  }
0x98: {  	s20 =	simm.s32 $0x400;
	s4 =	simm.s32 $0x80;
	v9 =	vadd.f32 v9, v8;
	v10 =	vadd.f32 v13, v10;
	v8 =	vld [tilespmem:s21+$0x1A960]  }
.LBB2_7:
0x99: {  	p4 =	sne.s32 s20, $0x3C00;
	v13 =	vld [tilespmem:s4+$0x1A970];
	v5 =	vadd.f32 v12, v5  }
0x9a: {  	v14 =	vld [tilespmem:s4+$0x1A900];
	v4 =	vadd.f32 v11, v4  }
0x9b: {  	v15 =	vld [tilespmem:s4+$0x1A910];
	v3 =	vadd.f32 v7, v3  }
.Ltmp4:
0x9c: {  	v12 =	vld [tilespmem:s4+$0x1A920];
	v2 =	vadd.f32 v6, v2;
	(pc) =	sbr.rel @p4 .LBB2_7-.Ltmp4, $4  }
0x9d: {  	v11 =	vld [tilespmem:s4+$0x1A930];
	v1 =	vadd.f32 v8, v1  }
0x9e: {  	v7 =	vld [tilespmem:s4+$0x1A940];
	v0 =	vadd.f32 v13, v0  }
0x9f: {  	v9 =	vadd.f32 v14, v9;
	v6 =	vld [tilespmem:s4+$0x1A950]  }
0xa0: {  	v10 =	vadd.f32 v15, v10;
	v8 =	vld [tilespmem:s4+$0x1A960];
	s4 =	sshra.s32 s20, $0x2;
	s20 =	sadd.s32 $0x200, s20  }
0xa1: {  	v13 =	vld [tilespmem:s4+$0x1A970]  }
0xa2: {  	v14 =	vld [tilespmem:s4+$0x1A900]  }
0xa3: {  	v15 =	vld [tilespmem:s4+$0x1A910]  }
0xa4: {  	v16 =	vld [tilespmem:s4+$0x1A920]  }
0xa5: {  	v17 =	vld [tilespmem:s4+$0x1A930]  }
0xa6: {  	v18 =	vld [tilespmem:s4+$0x1A940];
	v5 =	vadd.f32 v12, v5;
	v4 =	vadd.f32 v11, v4  }
0xa7: {  	v12 =	vld [tilespmem:s4+$0x1A950];
	v3 =	vadd.f32 v7, v3;
	v9 =	vadd.f32 v14, v9  }
0xa8: {  	v11 =	vld [tilespmem:s4+$0x1A960];
	v2 =	vadd.f32 v6, v2;
	v10 =	vadd.f32 v15, v10  }
0xa9: {  	v6 =	vadd.f32 v8, v1;
	v1 =	vld [tilespmem:$0x1B8A0];
	v5 =	vadd.f32 v16, v5;
	[tilespmem:$0x1E980] =	vst v9  }
0xaa: {  	v4 =	vadd.f32 v17, v4;
	v14 =	vld [tilespmem:$0x1B890];
	[tilespmem:$0x1E990] =	vst v10  }
0xab: {  	v3 =	vadd.f32 v18, v3;
	v7 =	vadd.f32 v13, v0;
	v0 =	vld [tilespmem:$0x1B8E0];
	[tilespmem:$0x1E9A0] =	vst v5  }
0xac: {  	v9 =	vld [tilespmem:$0x1B880];
	[tilespmem:$0x1E9B0] =	vst v4  }
0xad: {  	v6 =	vadd.f32 v11, v6;
	v5 =	vadd.f32 v12, v2;
	v2 =	vld [tilespmem:$0x1B8B0];
	[tilespmem:$0x1E9C0] =	vst v3  }
0xae: {  	v3 =	vld [tilespmem:$0x1B8C0];
	[tilespmem:$0x1E9F0] =	vst v7  }
0xaf: {  	v4 =	vld [tilespmem:$0x1B8D0];
	[tilespmem:$0x1E9E0] =	vst v6  }
0xb0: {  	s21 =	simm.s32 $0x0;
	[tilespmem:$0x1E9D0] =	vst v5;
	v5 =	vld [tilespmem:$0x1B8F0]  }
0xb1: {  	v7 =	vld [tilespmem:s21+$0x1B970]  }
0xb2: {  	v8 =	vld [tilespmem:s21+$0x1B900]  }
0xb3: {  	v11 =	vld [tilespmem:s21+$0x1B910]  }
0xb4: {  	v12 =	vld [tilespmem:s21+$0x1B920]  }
0xb5: {  	v10 =	vld [tilespmem:s21+$0x1B930]  }
0xb6: {  	v6 =	vld [tilespmem:s21+$0x1B940]  }
0xb7: {  	v5 =	vadd.f32 v7, v5;
	v7 =	vld [tilespmem:s21+$0x1B950]  }
0xb8: {  	s20 =	simm.s32 $0x400;
	s4 =	simm.s32 $0x80;
	v8 =	vadd.f32 v8, v9;
	v9 =	vadd.f32 v11, v14;
	v11 =	vld [tilespmem:s21+$0x1B960]  }
.LBB2_9:
0xb9: {  	p4 =	sne.s32 s20, $0x3C00;
	v13 =	vld [tilespmem:s4+$0x1B970];
	v1 =	vadd.f32 v12, v1  }
0xba: {  	v14 =	vld [tilespmem:s4+$0x1B900];
	v2 =	vadd.f32 v10, v2  }
0xbb: {  	v15 =	vld [tilespmem:s4+$0x1B910];
	v3 =	vadd.f32 v6, v3  }
.Ltmp5:
0xbc: {  	v12 =	vld [tilespmem:s4+$0x1B920];
	v4 =	vadd.f32 v7, v4;
	(pc) =	sbr.rel @p4 .LBB2_9-.Ltmp5, $4  }
0xbd: {  	v10 =	vld [tilespmem:s4+$0x1B930];
	v0 =	vadd.f32 v11, v0  }
0xbe: {  	v6 =	vld [tilespmem:s4+$0x1B940];
	v5 =	vadd.f32 v13, v5  }
0xbf: {  	v8 =	vadd.f32 v14, v8;
	v7 =	vld [tilespmem:s4+$0x1B950]  }
0xc0: {  	v9 =	vadd.f32 v15, v9;
	v11 =	vld [tilespmem:s4+$0x1B960];
	s4 =	sshra.s32 s20, $0x2;
	s20 =	sadd.s32 $0x200, s20  }
0xc1: {  	v14 =	vld [tilespmem:s4+$0x1B900]  }
0xc2: {  	v15 =	vld [tilespmem:s4+$0x1B910]  }
0xc3: {  	v16 =	vld [tilespmem:s4+$0x1B920]  }
0xc4: {  	v17 =	vld [tilespmem:s4+$0x1B930]  }
0xc5: {  	v18 =	vld [tilespmem:s4+$0x1B940];
	v1 =	vadd.f32 v12, v1  }
0xc6: {  	v2 =	vadd.f32 v10, v2;
	v10 =	vld [tilespmem:s4+$0x1B960];
	v8 =	vadd.f32 v14, v8  }
0xc7: {  	v12 =	vld [tilespmem:s4+$0x1B950];
	v9 =	vadd.f32 v15, v9  }
0xc8: {  	v13 =	vld [tilespmem:s4+$0x1B970];
	v3 =	vadd.f32 v6, v3;
	v1 =	vadd.f32 v16, v1;
	[tilespmem:$0x1EA00] =	vst v8  }
0xc9: {  	v0 =	vadd.f32 v11, v0;
	v2 =	vadd.f32 v17, v2;
	[tilespmem:$0x1EA10] =	vst v9  }
0xca: {  	v4 =	vadd.f32 v7, v4;
	v3 =	vadd.f32 v18, v3;
	[tilespmem:$0x1EA20] =	vst v1  }
0xcb: {  	v0 =	vadd.f32 v10, v0;
	[tilespmem:$0x1EA30] =	vst v2  }
0xcc: {  	s4 =	sadd.s32 s9, s31;
	v1 =	vadd.f32 v12, v4;
	[tilespmem:$0x1EA40] =	vst v3  }
0xcd: {  	p4 =	sgt.u32 s4, $0x270E;
	v2 =	vadd.f32 v13, v5;
	[tilespmem:$0x1EA60] =	vst v0  }
0xce: {  	s4 =	sshll.u32 @!p4 s4, $0x4;
	[tilespmem:$0x1EA50] =	vst v1  }
0xcf: {  	s20 =	simm.s32 @!p4 $0x0;
	s21 =	simm.s32 @!p4 $0x1E980;
	s4 =	sadd.s32 @!p4 s2, s4;
	[tilespmem:$0x1EA70] =	vst v2  }
0xd0: {  	[hbm4b:s4+s20] =	stream.linear.scatter @!p4 [tilespmem:s21], [sflag:$0x5], $0x100, $0x38;
	[tilespmem:$0x1EB80] =	vst v63  }
0xd1: {  	s0 =	sadd.s32 @!p3 $0x13A80, s0;
	s4 =	simm.s32 @!p3 $0x40;
	s20 =	simm.s32 @!p3 $0x1A880  }
0xd2: {  	[tilespmem:s20], [sflag:$0x2] =	stream.indirect.gather @!p3 [spmem:s3], $0x80, s0, s4, $0xb8;
	[tilespmem:$0x1EB80] =	vst v63  }
0xd3: {  	p4 =	sgt.u32 @!p2 s1, $0x2710;
	_ =	swait.ge [sflag:s28], $0x2000  }
0xd4: {  	p2 =	por p4, p2;
	[sflag:s28] =	ssyncset.done $0x0  }
0xd5: {  	s0 =	simm.s32 @!p2 $0x6;
	[sflag:s28] =	ssyncadd.s32 $0xFFFFE000  }
0xd6: {  	_ =	swait.ge @!p2 [sflag:s0], $0x100  }
0xd7: {  	[sflag:s0] =	ssyncset.done @!p2 $0x0  }
0xd8: {  	[sflag:s0] =	ssyncadd.s32 @!p2 $0xFFFFFF00  }
0xd9: {  	v8 =	vld [tilespmem:$0x1C880]  }
0xda: {  	v10 =	vld [tilespmem:$0x1C890]  }
0xdb: {  	v5 =	vld [tilespmem:$0x1C8A0]  }
0xdc: {  	v4 =	vld [tilespmem:$0x1C8B0]  }
0xdd: {  	v3 =	vld [tilespmem:$0x1C8C0]  }
0xde: {  	v2 =	vld [tilespmem:$0x1C8D0]  }
0xdf: {  	v1 =	vld [tilespmem:$0x1C8E0]  }
0xe0: {  	s21 =	simm.s32 $0x0;
	v0 =	vld [tilespmem:$0x1C8F0]  }
0xe1: {  	v6 =	vld [tilespmem:s21+$0x1C970]  }
0xe2: {  	v9 =	vld [tilespmem:s21+$0x1C900]  }
0xe3: {  	v13 =	vld [tilespmem:s21+$0x1C910]  }
0xe4: {  	v12 =	vld [tilespmem:s21+$0x1C920]  }
0xe5: {  	v11 =	vld [tilespmem:s21+$0x1C930]  }
0xe6: {  	v7 =	vld [tilespmem:s21+$0x1C940]  }
0xe7: {  	v0 =	vadd.f32 v6, v0;
	v6 =	vld [tilespmem:s21+$0x1C950]  }
0xe8: {  	s1 =	simm.s32 $0x400;
	s0 =	simm.s32 $0x80;
	v9 =	vadd.f32 v9, v8;
	v10 =	vadd.f32 v13, v10;
	v8 =	vld [tilespmem:s21+$0x1C960]  }
.LBB2_11:
0xe9: {  	p2 =	sne.s32 s1, $0x3C00;
	v13 =	vld [tilespmem:s0+$0x1C970];
	v5 =	vadd.f32 v12, v5  }
0xea: {  	v14 =	vld [tilespmem:s0+$0x1C900];
	v4 =	vadd.f32 v11, v4  }
0xeb: {  	v15 =	vld [tilespmem:s0+$0x1C910];
	v3 =	vadd.f32 v7, v3  }
.Ltmp6:
0xec: {  	v12 =	vld [tilespmem:s0+$0x1C920];
	v2 =	vadd.f32 v6, v2;
	(pc) =	sbr.rel @p2 .LBB2_11-.Ltmp6, $4  }
0xed: {  	v11 =	vld [tilespmem:s0+$0x1C930];
	v1 =	vadd.f32 v8, v1  }
0xee: {  	v7 =	vld [tilespmem:s0+$0x1C940];
	v0 =	vadd.f32 v13, v0  }
0xef: {  	v9 =	vadd.f32 v14, v9;
	v6 =	vld [tilespmem:s0+$0x1C950]  }
0xf0: {  	v10 =	vadd.f32 v15, v10;
	v8 =	vld [tilespmem:s0+$0x1C960];
	s0 =	sshra.s32 s1, $0x2;
	s1 =	sadd.s32 $0x200, s1  }
0xf1: {  	v13 =	vld [tilespmem:s0+$0x1C970]  }
0xf2: {  	v14 =	vld [tilespmem:s0+$0x1C900]  }
0xf3: {  	v15 =	vld [tilespmem:s0+$0x1C910]  }
0xf4: {  	v16 =	vld [tilespmem:s0+$0x1C920]  }
0xf5: {  	v17 =	vld [tilespmem:s0+$0x1C930]  }
0xf6: {  	v18 =	vld [tilespmem:s0+$0x1C940];
	v5 =	vadd.f32 v12, v5;
	v4 =	vadd.f32 v11, v4  }
0xf7: {  	v12 =	vld [tilespmem:s0+$0x1C950];
	v3 =	vadd.f32 v7, v3;
	v9 =	vadd.f32 v14, v9  }
0xf8: {  	v11 =	vld [tilespmem:s0+$0x1C960];
	v2 =	vadd.f32 v6, v2;
	v10 =	vadd.f32 v15, v10  }
0xf9: {  	v6 =	vadd.f32 v8, v1;
	v1 =	vld [tilespmem:$0x1D8A0];
	v5 =	vadd.f32 v16, v5;
	[tilespmem:$0x1EA80] =	vst v9  }
0xfa: {  	v4 =	vadd.f32 v17, v4;
	v14 =	vld [tilespmem:$0x1D890];
	[tilespmem:$0x1EA90] =	vst v10  }
0xfb: {  	v3 =	vadd.f32 v18, v3;
	v7 =	vadd.f32 v13, v0;
	v0 =	vld [tilespmem:$0x1D8E0];
	[tilespmem:$0x1EAA0] =	vst v5  }
0xfc: {  	v9 =	vld [tilespmem:$0x1D880];
	[tilespmem:$0x1EAB0] =	vst v4  }
0xfd: {  	v6 =	vadd.f32 v11, v6;
	v5 =	vadd.f32 v12, v2;
	v2 =	vld [tilespmem:$0x1D8B0];
	[tilespmem:$0x1EAC0] =	vst v3  }
0xfe: {  	v3 =	vld [tilespmem:$0x1D8C0];
	[tilespmem:$0x1EAF0] =	vst v7  }
0xff: {  	v4 =	vld [tilespmem:$0x1D8D0];
	[tilespmem:$0x1EAE0] =	vst v6  }
0x100: {  	s4 =	simm.s32 $0x0;
	[tilespmem:$0x1EAD0] =	vst v5;
	v5 =	vld [tilespmem:$0x1D8F0]  }
0x101: {  	v7 =	vld [tilespmem:s4+$0x1D970]  }
0x102: {  	v8 =	vld [tilespmem:s4+$0x1D900]  }
0x103: {  	v11 =	vld [tilespmem:s4+$0x1D910]  }
0x104: {  	v12 =	vld [tilespmem:s4+$0x1D920]  }
0x105: {  	v10 =	vld [tilespmem:s4+$0x1D930]  }
0x106: {  	v6 =	vld [tilespmem:s4+$0x1D940]  }
0x107: {  	v5 =	vadd.f32 v7, v5;
	v7 =	vld [tilespmem:s4+$0x1D950]  }
0x108: {  	s1 =	simm.s32 $0x400;
	s0 =	simm.s32 $0x80;
	v8 =	vadd.f32 v8, v9;
	v9 =	vadd.f32 v11, v14;
	v11 =	vld [tilespmem:s4+$0x1D960]  }
.LBB2_13:
0x109: {  	p2 =	sne.s32 s1, $0x3C00;
	v13 =	vld [tilespmem:s0+$0x1D970];
	v1 =	vadd.f32 v12, v1  }
0x10a: {  	v14 =	vld [tilespmem:s0+$0x1D900];
	v2 =	vadd.f32 v10, v2  }
0x10b: {  	v15 =	vld [tilespmem:s0+$0x1D910];
	v3 =	vadd.f32 v6, v3  }
.Ltmp7:
0x10c: {  	v12 =	vld [tilespmem:s0+$0x1D920];
	v4 =	vadd.f32 v7, v4;
	(pc) =	sbr.rel @p2 .LBB2_13-.Ltmp7, $4  }
0x10d: {  	v10 =	vld [tilespmem:s0+$0x1D930];
	v0 =	vadd.f32 v11, v0  }
0x10e: {  	v6 =	vld [tilespmem:s0+$0x1D940];
	v5 =	vadd.f32 v13, v5  }
0x10f: {  	v8 =	vadd.f32 v14, v8;
	v7 =	vld [tilespmem:s0+$0x1D950]  }
0x110: {  	v9 =	vadd.f32 v15, v9;
	v11 =	vld [tilespmem:s0+$0x1D960];
	s0 =	sshra.s32 s1, $0x2;
	s1 =	sadd.s32 $0x200, s1  }
0x111: {  	v14 =	vld [tilespmem:s0+$0x1D900]  }
0x112: {  	v15 =	vld [tilespmem:s0+$0x1D910]  }
0x113: {  	v16 =	vld [tilespmem:s0+$0x1D920]  }
0x114: {  	v17 =	vld [tilespmem:s0+$0x1D930]  }
0x115: {  	v18 =	vld [tilespmem:s0+$0x1D940]  }
0x116: {  	v1 =	vadd.f32 v12, v1;
	v60 =	vld [tilespmem:s0+$0x1D950];
	v8 =	vadd.f32 v14, v8  }
0x117: {  	v13 =	vld [tilespmem:s0+$0x1D970];
	v2 =	vadd.f32 v10, v2;
	v9 =	vadd.f32 v15, v9  }
0x118: {  	v61 =	vld [tilespmem:s0+$0x1D960];
	v3 =	vadd.f32 v6, v3;
	v1 =	vadd.f32 v16, v1;
	[tilespmem:$0x1EB00] =	vst v8  }
0x119: {  	v4 =	vadd.f32 v7, v4;
	v2 =	vadd.f32 v17, v2;
	[tilespmem:$0x1EB10] =	vst v9  }
0x11a: {  	v3 =	vadd.f32 v18, v3;
	[tilespmem:$0x1EB20] =	vst v1  }
0x11b: {  	v0 =	vadd.f32 v11, v0;
	v62 =	vadd.f32 v60, v4;
	[tilespmem:$0x1EB30] =	vst v2  }
.Ltmp8:
0x11c: {  	s0 =	sadd.s32 s10, s31;
	v63 =	vadd.f32 v13, v5;
	[tilespmem:$0x1EB40] =	vst v3;
	(pc) =	sbr.rel @p3 .LBB2_16-.Ltmp8, $4  }
0x11d: {  	p2 =	sgt.u32 s0, $0x270E;
	v0 =	vadd.f32 v61, v0;
	[tilespmem:$0x1EB50] =	vst v62  }
0x11e: {  	s0 =	sshll.u32 @!p2 s0, $0x4;
	[tilespmem:$0x1EB70] =	vst v63  }
0x11f: {  	s1 =	simm.s32 @!p2 $0x0;
	s4 =	simm.s32 @!p2 $0x1EA80;
	s0 =	sadd.s32 @!p2 s2, s0;
	[tilespmem:$0x1EB60] =	vst v0  }
0x120: {  	[hbm4b:s0+s1] =	stream.linear.scatter @!p2 [tilespmem:s4], [sflag:$0x6], $0x100, $0x38;
	[tilespmem:$0x1EB80] =	vst v63  }
0x121: {  	s0 =	smul.u32 $0x600, s30  }
.Ltmp9:
0x122: {  	_ = 	snop;
	(pc) =	sbr.rel .LBB2_2-.Ltmp9, $4  }
0x123: {  	_ = 	snop  }
0x124: {  	s0 =	sshra.s32 s0, $0x2  }
0x125: {  	s30 =	sadd.s32 $0x1, s30;
	s0 =	sadd.s32 $0x13B00, s0  }
0x126: {  	[tilespmem:s24], [sflag:$0x3] =	stream.indirect.gather [spmem:s3], $0x80, s0, s19, $0xb8;
	[tilespmem:$0x1EB80] =	vst v63  }
.LBB2_17:
0x127: {  	_ =	sfence.sel $0x180000  }
0x128: {  	[bflag:$0x0] =	sbarrier.arrive $0xFFFF  }
0x129: {  	_ =	strace $0x90000047  }
0x12a: {  	s0 =	stileid.u32;
	[bflag:$0x2] =	sbarrier.arrive $0xFFFF  }
0x12b: {  	p0 =	sne.s32 s0, $0x0;
	s0 =	rddreg [dreg:$0x4]  }
0x12c: {  	s0 =	sadd.s32 @!p0 $0x100000, s0  }
0x12d: {  	[sflag:s0] =	ssyncadd.tile.s32 @!p0 $0x1;
	_ =	shalt  }
.Lfunc_end2:
_tile_overlayer_lowered:
.L_overlay_start_2:
0x12e: {  	(tag) =	ssettag $0x2  }
0x12f: {  	s0 =	rddreg [dreg:$0x0];
	s2 =	stileid.u32  }
0x130: {  	s1 =	rddreg [dreg:$0x1];
	p0 =	sne.s32 s2, $0x0  }
0x131: {  	s3 =	rddreg [dreg:$0x2];
	[bflag:$0x3] =	sbarrier.arrive $0xFFFF;
	s2 =	simm.s32 @!p0 $0x1C07  }
0x132: {  	[timem:s3], [sflag:s2] =	dma.local @!p0 [hbm:s0], s1  }
0x133: {  	s0 =	simm.s32 @!p0 $0x7  }
0x134: {  	_ =	swait.ge @!p0 [sflag:s0], s1  }
0x135: {  	s1 =	ssub.s32 @!p0 $0x0, s1;
	[sflag:s0] =	ssyncset.done @!p0 $0x0  }
0x136: {  	[sflag:s0] =	ssyncadd.s32 @!p0 s1  }
0x137: {  	[bflag:$0x3] =	sbarrier.arrive $0xFFFF  }
0x138: {  	_ =	shalt  }

</sc_bundles>
